<compile_context>
chip_gen: v7x
topology: tpu7x:2x2x1
jax: 0.10.2.dev20260603
libtpu: 0.0.44.dev20260713+nightly
codegen_flags: <defaults>
</compile_context>

<pallas_src>
import functools

import jax
import jax.numpy as jnp
from jax import lax
from jax.experimental import pallas as pl
from jax.experimental.pallas import tpu as pltpu
from jax.experimental.pallas import tpu_sc as plsc

_B, _N, _D = 4, 4096, 2048
_NW = 32
_NS = 16
_ROWS_PER_W = _B * _N // _NW
_C = 8
_NCHUNKS = _ROWS_PER_W // _C
_NBUF = 4
_GDEPTH = 3
_NSLOT = 2


@jax.jit
def _gather(x_flat, idx3):
    mesh = plsc.VectorSubcoreMesh(core_axis_name="c", subcore_axis_name="s")

    @functools.partial(
        pl.kernel,
        mesh=mesh,
        out_type=jax.ShapeDtypeStruct((_B * _N, _D), jnp.float32),
        scratch_types=[
            pltpu.VMEM((_NCHUNKS, _C), jnp.int32),
            pltpu.VMEM((_NBUF, _C, _D), jnp.float32),
            pltpu.VMEM_SHARED((_NS, _NSLOT, _C, _D), jnp.float32),
        ]
        + [pltpu.SemaphoreType.DMA] * (_NBUF + 2 * _NSLOT),
    )
    def k(x_hbm, idx_hbm, out_hbm, idx_v, buf, shared, *sems):
        gsem = sems[:_NBUF]
        csem = sems[_NBUF : _NBUF + _NSLOT]
        wsem = sems[_NBUF + _NSLOT :]
        info = plsc.get_sparse_core_info()
        sid = lax.axis_index("s")
        wid = sid * info.num_cores + lax.axis_index("c")
        pltpu.sync_copy(idx_hbm.at[wid], idx_v)
        row_base = wid * _ROWS_PER_W

        def start_gather(c, b):
            pltpu.make_async_copy(x_hbm.at[idx_v.at[c]], buf.at[b], gsem[b]).start()

        def wait_gather(b):
            pltpu.make_async_copy(x_hbm.at[pl.ds(0, _C)], buf.at[b], gsem[b]).wait()

        def start_copy(b, s):
            pltpu.make_async_copy(buf.at[b], shared.at[sid].at[s], csem[s]).start()

        def wait_copy(b, s):
            pltpu.make_async_copy(buf.at[b], shared.at[sid].at[s], csem[s]).wait()

        def start_write(c, s):
            pltpu.make_async_copy(
                shared.at[sid].at[s], out_hbm.at[pl.ds(row_base + c * _C, _C)], wsem[s]
            ).start()

        def wait_write(s):
            pltpu.make_async_copy(
                shared.at[sid].at[s], out_hbm.at[pl.ds(row_base, _C)], wsem[s]
            ).wait()

        for p in range(_GDEPTH):
            start_gather(p, p)

        def body(g, carry):
            for b in range(_NBUF):
                c = _NBUF * g + b
                s = b % _NSLOT
                wait_gather(b)

                @pl.when(c >= _NSLOT)
                def _():
                    wait_write(s)

                start_copy(b, s)
                wait_copy(b, s)
                start_write(c, s)

                @pl.when(c + _GDEPTH < _NCHUNKS)
                def _():
                    start_gather(c + _GDEPTH, (b + _GDEPTH) % _NBUF)
            return carry

        lax.fori_loop(0, _NCHUNKS // _NBUF, body, 0)
        for s in range(_NSLOT):
            wait_write(s)

    return k(x_flat, idx3)


def _perm_indices(B, N):
    base_key = jax.random.key(42)

    def one(i):
        return jax.random.permutation(jax.random.fold_in(base_key, i), N)

    perm = jax.vmap(one)(jnp.arange(B))
    flat = perm.astype(jnp.int32) + (jnp.arange(B, dtype=jnp.int32) * N)[:, None]
    return flat.reshape(_NW, _NCHUNKS, _C)


def kernel(x):
    B, N, D = x.shape
    idx3 = _perm_indices(B, N)
    out = _gather(x.reshape(B * N, D), idx3)
    return out.reshape(B, N, D)

# --- scband reference (transcript-rebuilt; emitter-appended) ---
"""Pipeline reference for scband-shuffle-layer-59760174956734 (READ-ONLY COPY).

The authoritative reference and input builder live on the scoring server;
editing this copy changes nothing except your own understanding.
"""

import jax, jax.numpy as jnp
import numpy as np

B, N, D = 4, 4096, 2048

def setup_inputs(seed: int = 0) -> dict:
    key = jax.random.key(seed)
    x = jax.random.normal(key, (B, N, D), dtype=jnp.float32)
    return {"x": x}

def reference(x):
    # Training-mode behavior of ShuffleLayer: independently permute the
    # block (second) dimension for every batch element. torch.randperm is
    # replaced by a deterministic jax.random.permutation keyed per batch row.
    batch_size, num_blocks, _ = x.shape
    base_key = jax.random.key(42)

    def shuffle_one(i, xi):
        perm = jax.random.permutation(jax.random.fold_in(base_key, i), num_blocks)
        return jnp.take(xi, perm, axis=0)

    shuffled_x = jax.vmap(shuffle_one)(jnp.arange(batch_size), x)
    return shuffled_x

if __name__ == "__main__":
    import jax
    _d = setup_inputs()
    print(jax.jit(kernel)(*tuple(_d.values())))

</pallas_src>

<mosaic_0001>
#map = affine_map<(d0, d1) -> (0, 0)>
#map1 = affine_map<(d0, d1) -> (0, 0, 0)>
module attributes {stable_mosaic.version = 14 : i64} {
  func.func @k(%arg0: i32, %arg1: i32, %arg2: memref<16384x2048xf32, #tpu.memory_space<hbm>>, %arg3: memref<32x64x8xi32, #tpu.memory_space<hbm>>, %arg4: memref<16384x2048xf32, #tpu.memory_space<hbm>>, %arg5: memref<64x8xi32, #tpu.memory_space<vmem>>, %arg6: memref<4x8x2048xf32, #tpu.memory_space<vmem>>, %arg7: memref<16x2x8x2048xf32, #tpu.memory_space<vmem_shared>>, %arg8: memref<!tpu.dma_semaphore, #tpu.memory_space<semaphore_mem>>, %arg9: memref<!tpu.dma_semaphore, #tpu.memory_space<semaphore_mem>>, %arg10: memref<!tpu.dma_semaphore, #tpu.memory_space<semaphore_mem>>, %arg11: memref<!tpu.dma_semaphore, #tpu.memory_space<semaphore_mem>>, %arg12: memref<!tpu.dma_semaphore, #tpu.memory_space<semaphore_mem>>, %arg13: memref<!tpu.dma_semaphore, #tpu.memory_space<semaphore_mem>>, %arg14: memref<!tpu.dma_semaphore, #tpu.memory_space<semaphore_mem>>, %arg15: memref<!tpu.dma_semaphore, #tpu.memory_space<semaphore_mem>>) attributes {dimension_semantics = [#tpu.dimension_semantics<core_parallel>, #tpu.dimension_semantics<subcore_parallel>], iteration_bounds = array<i64: 2, 16>, scalar_prefetch = 0 : i64, scratch_operands = 11 : i64, tpu.core_type = #tpu.core_type<sc_vector_subcore>, window_params = [{transform_indices = #map}, {transform_indices = #map1}, {transform_indices = #map}]} {
    %mul3A = arith.constant 2 : i32
    %mul3A_0 = arith.muli %arg1, %mul3A : i32
    %add3A = arith.addi %mul3A_0, %arg0 : i32
    "tpu.region"() ({
      %run_scoped3A = tpu.sem_alloc : memref<!tpu.dma_semaphore, #tpu.memory_space<semaphore_mem>>
      %dma_start3A_66 = arith.constant 0 : i32
      %dma_start3A_67 = arith.constant 0 : i32
      %dma_start3A_68 = tpu.memref_slice %arg3[%add3A, %dma_start3A_66, %dma_start3A_67] : memref<32x64x8xi32, #tpu.memory_space<hbm>> -> memref<1x64x8xi32, #tpu.memory_space<hbm>>
      %dma_start3A_69 = tpu.memref_squeeze %dma_start3A_68 : memref<1x64x8xi32, #tpu.memory_space<hbm>> -> memref<64x8xi32, #tpu.memory_space<hbm>>
      %dma_start3A_70 = arith.constant 0 : i32
      %dma_start3A_71 = arith.constant 0 : i32
      %dma_start3A_72 = tpu.memref_slice %arg3[%add3A, %dma_start3A_70, %dma_start3A_71] : memref<32x64x8xi32, #tpu.memory_space<hbm>> -> memref<1x64x8xi32, #tpu.memory_space<hbm>>
      %dma_start3A_73 = tpu.memref_squeeze %dma_start3A_72 : memref<1x64x8xi32, #tpu.memory_space<hbm>> -> memref<64x8xi32, #tpu.memory_space<hbm>>
      tpu.enqueue_dma source(%dma_start3A_73 : memref<64x8xi32, #tpu.memory_space<hbm>>) target(%arg5 : memref<64x8xi32, #tpu.memory_space<vmem>>) target_semaphore(%run_scoped3A : memref<!tpu.dma_semaphore, #tpu.memory_space<semaphore_mem>>)
      %dma_wait3A_74 = arith.constant 0 : i32
      %dma_wait3A_75 = arith.constant 0 : i32
      %dma_wait3A_76 = tpu.memref_slice %arg3[%add3A, %dma_wait3A_74, %dma_wait3A_75] : memref<32x64x8xi32, #tpu.memory_space<hbm>> -> memref<1x64x8xi32, #tpu.memory_space<hbm>>
      %dma_wait3A_77 = tpu.memref_squeeze %dma_wait3A_76 : memref<1x64x8xi32, #tpu.memory_space<hbm>> -> memref<64x8xi32, #tpu.memory_space<hbm>>
      %dma_wait3A_78 = arith.constant 0 : i32
      %dma_wait3A_79 = arith.constant 0 : i32
      %dma_wait3A_80 = tpu.memref_slice %arg3[%add3A, %dma_wait3A_78, %dma_wait3A_79] : memref<32x64x8xi32, #tpu.memory_space<hbm>> -> memref<1x64x8xi32, #tpu.memory_space<hbm>>
      %dma_wait3A_81 = tpu.memref_squeeze %dma_wait3A_80 : memref<1x64x8xi32, #tpu.memory_space<hbm>> -> memref<64x8xi32, #tpu.memory_space<hbm>>
      tpu.wait_dma2 semaphore(%run_scoped3A : memref<!tpu.dma_semaphore, #tpu.memory_space<semaphore_mem>>) src(%dma_wait3A_81 : memref<64x8xi32, #tpu.memory_space<hbm>>) dst(%arg5 : memref<64x8xi32, #tpu.memory_space<vmem>>)
      tpu.yield
    }) : () -> ()
    %mul3A_1 = arith.constant 512 : i32
    %mul3A_2 = arith.muli %add3A, %mul3A_1 : i32
    %dma_start3A = arith.constant 0 : i32
    %dma_start3A_3 = arith.constant 0 : i32
    %dma_start3A_4 = arith.constant 0 : i32
    %dma_start3A_5 = arith.constant 0 : i32
    %dma_start3A_6 = tpu.memref_slice %arg6[%dma_start3A_3, %dma_start3A_4, %dma_start3A_5] : memref<4x8x2048xf32, #tpu.memory_space<vmem>> -> memref<1x8x2048xf32, #tpu.memory_space<vmem>>
    %dma_start3A_7 = tpu.memref_squeeze %dma_start3A_6 : memref<1x8x2048xf32, #tpu.memory_space<vmem>> -> memref<8x2048xf32, #tpu.memory_space<vmem>>
    %dma_start3A_8 = arith.constant 0 : i32
    %dma_start3A_9 = tpu.memref_slice %arg5[%dma_start3A, %dma_start3A_8] : memref<64x8xi32, #tpu.memory_space<vmem>> -> memref<1x8xi32, #tpu.memory_space<vmem>>
    %dma_start3A_10 = tpu.memref_squeeze %dma_start3A_9 : memref<1x8xi32, #tpu.memory_space<vmem>> -> memref<8xi32, #tpu.memory_space<vmem>>
    %dma_start3A_11 = arith.constant 0 : i32
    %dma_start3A_12 = arith.constant 0 : i32
    %dma_start3A_13 = tpu.memref_slice %arg2[%dma_start3A_11, %dma_start3A_12] : memref<16384x2048xf32, #tpu.memory_space<hbm>> -> memref<16384x2048xf32, #tpu.memory_space<hbm>>
    tpu.enqueue_indirect_dma source(%dma_start3A_13 : memref<16384x2048xf32, #tpu.memory_space<hbm>>) target(%dma_start3A_7 : memref<8x2048xf32, #tpu.memory_space<vmem>>) offsets(%dma_start3A_10 : memref<8xi32, #tpu.memory_space<vmem>>) semaphore(%arg8 : memref<!tpu.dma_semaphore, #tpu.memory_space<semaphore_mem>>)
    %dma_start3A_14 = arith.constant 1 : i32
    %dma_start3A_15 = arith.constant 1 : i32
    %dma_start3A_16 = arith.constant 0 : i32
    %dma_start3A_17 = arith.constant 0 : i32
    %dma_start3A_18 = tpu.memref_slice %arg6[%dma_start3A_15, %dma_start3A_16, %dma_start3A_17] : memref<4x8x2048xf32, #tpu.memory_space<vmem>> -> memref<1x8x2048xf32, #tpu.memory_space<vmem>>
    %dma_start3A_19 = tpu.memref_squeeze %dma_start3A_18 : memref<1x8x2048xf32, #tpu.memory_space<vmem>> -> memref<8x2048xf32, #tpu.memory_space<vmem>>
    %dma_start3A_20 = arith.constant 0 : i32
    %dma_start3A_21 = tpu.memref_slice %arg5[%dma_start3A_14, %dma_start3A_20] : memref<64x8xi32, #tpu.memory_space<vmem>> -> memref<1x8xi32, #tpu.memory_space<vmem>>
    %dma_start3A_22 = tpu.memref_squeeze %dma_start3A_21 : memref<1x8xi32, #tpu.memory_space<vmem>> -> memref<8xi32, #tpu.memory_space<vmem>>
    %dma_start3A_23 = arith.constant 0 : i32
    %dma_start3A_24 = arith.constant 0 : i32
    %dma_start3A_25 = tpu.memref_slice %arg2[%dma_start3A_23, %dma_start3A_24] : memref<16384x2048xf32, #tpu.memory_space<hbm>> -> memref<16384x2048xf32, #tpu.memory_space<hbm>>
    tpu.enqueue_indirect_dma source(%dma_start3A_25 : memref<16384x2048xf32, #tpu.memory_space<hbm>>) target(%dma_start3A_19 : memref<8x2048xf32, #tpu.memory_space<vmem>>) offsets(%dma_start3A_22 : memref<8xi32, #tpu.memory_space<vmem>>) semaphore(%arg9 : memref<!tpu.dma_semaphore, #tpu.memory_space<semaphore_mem>>)
    %dma_start3A_26 = arith.constant 2 : i32
    %dma_start3A_27 = arith.constant 2 : i32
    %dma_start3A_28 = arith.constant 0 : i32
    %dma_start3A_29 = arith.constant 0 : i32
    %dma_start3A_30 = tpu.memref_slice %arg6[%dma_start3A_27, %dma_start3A_28, %dma_start3A_29] : memref<4x8x2048xf32, #tpu.memory_space<vmem>> -> memref<1x8x2048xf32, #tpu.memory_space<vmem>>
    %dma_start3A_31 = tpu.memref_squeeze %dma_start3A_30 : memref<1x8x2048xf32, #tpu.memory_space<vmem>> -> memref<8x2048xf32, #tpu.memory_space<vmem>>
    %dma_start3A_32 = arith.constant 0 : i32
    %dma_start3A_33 = tpu.memref_slice %arg5[%dma_start3A_26, %dma_start3A_32] : memref<64x8xi32, #tpu.memory_space<vmem>> -> memref<1x8xi32, #tpu.memory_space<vmem>>
    %dma_start3A_34 = tpu.memref_squeeze %dma_start3A_33 : memref<1x8xi32, #tpu.memory_space<vmem>> -> memref<8xi32, #tpu.memory_space<vmem>>
    %dma_start3A_35 = arith.constant 0 : i32
    %dma_start3A_36 = arith.constant 0 : i32
    %dma_start3A_37 = tpu.memref_slice %arg2[%dma_start3A_35, %dma_start3A_36] : memref<16384x2048xf32, #tpu.memory_space<hbm>> -> memref<16384x2048xf32, #tpu.memory_space<hbm>>
    tpu.enqueue_indirect_dma source(%dma_start3A_37 : memref<16384x2048xf32, #tpu.memory_space<hbm>>) target(%dma_start3A_31 : memref<8x2048xf32, #tpu.memory_space<vmem>>) offsets(%dma_start3A_34 : memref<8xi32, #tpu.memory_space<vmem>>) semaphore(%arg10 : memref<!tpu.dma_semaphore, #tpu.memory_space<semaphore_mem>>)
    %scan3A = arith.constant 0 : i32
    %scan3A_38 = arith.constant 0 : i32
    %scan3A_39 = arith.constant 16 : i32
    %scan3A_40 = arith.addi %scan3A_38, %scan3A_39 : i32
    %scan3A_41 = arith.constant 1 : i32
    scf.for %scan3A_66 = %scan3A_38 to %scan3A_40 step %scan3A_41  : i32 {
      %mul3A_67 = arith.constant 4 : i32
      %mul3A_68 = arith.muli %mul3A_67, %scan3A_66 : i32
      %add3A_69 = arith.constant 0 : i32
      %add3A_70 = arith.addi %mul3A_68, %add3A_69 : i32
      %dma_wait3A_71 = arith.constant 0 : i32
      %dma_wait3A_72 = arith.constant 0 : i32
      %dma_wait3A_73 = arith.constant 0 : i32
      %dma_wait3A_74 = tpu.memref_slice %arg6[%dma_wait3A_71, %dma_wait3A_72, %dma_wait3A_73] : memref<4x8x2048xf32, #tpu.memory_space<vmem>> -> memref<1x8x2048xf32, #tpu.memory_space<vmem>>
      %dma_wait3A_75 = tpu.memref_squeeze %dma_wait3A_74 : memref<1x8x2048xf32, #tpu.memory_space<vmem>> -> memref<8x2048xf32, #tpu.memory_space<vmem>>
      %dma_wait3A_76 = arith.constant 0 : i32
      %dma_wait3A_77 = arith.constant 0 : i32
      %dma_wait3A_78 = tpu.memref_slice %arg2[%dma_wait3A_76, %dma_wait3A_77] : memref<16384x2048xf32, #tpu.memory_space<hbm>> -> memref<8x2048xf32, #tpu.memory_space<hbm>>
      %dma_wait3A_79 = arith.constant 0 : i32
      %dma_wait3A_80 = arith.constant 0 : i32
      %dma_wait3A_81 = tpu.memref_slice %arg6[%dma_wait3A_71, %dma_wait3A_79, %dma_wait3A_80] : memref<4x8x2048xf32, #tpu.memory_space<vmem>> -> memref<1x8x2048xf32, #tpu.memory_space<vmem>>
      %dma_wait3A_82 = tpu.memref_squeeze %dma_wait3A_81 : memref<1x8x2048xf32, #tpu.memory_space<vmem>> -> memref<8x2048xf32, #tpu.memory_space<vmem>>
      %dma_wait3A_83 = arith.constant 0 : i32
      %dma_wait3A_84 = arith.constant 0 : i32
      %dma_wait3A_85 = tpu.memref_slice %arg2[%dma_wait3A_83, %dma_wait3A_84] : memref<16384x2048xf32, #tpu.memory_space<hbm>> -> memref<8x2048xf32, #tpu.memory_space<hbm>>
      tpu.wait_dma2 semaphore(%arg8 : memref<!tpu.dma_semaphore, #tpu.memory_space<semaphore_mem>>) src(%dma_wait3A_85 : memref<8x2048xf32, #tpu.memory_space<hbm>>) dst(%dma_wait3A_82 : memref<8x2048xf32, #tpu.memory_space<vmem>>)
      %ge3A = arith.constant 2 : i32
      %ge3A_86 = arith.cmpi sge, %add3A_70, %ge3A : i32
      %convert_element_type3A = arith.extui %ge3A_86 : i1 to i32
      %cond3A = arith.constant 0 : i32
      %cond3A_87 = arith.cmpi ne, %convert_element_type3A, %cond3A : i32
      scf.if %cond3A_87 {
        %dma_wait3A_471 = arith.constant 0 : i32
        %dma_wait3A_472 = arith.constant 0 : i32
        %dma_wait3A_473 = tpu.memref_slice %arg4[%mul3A_2, %dma_wait3A_472] : memref<16384x2048xf32, #tpu.memory_space<hbm>> -> memref<8x2048xf32, #tpu.memory_space<hbm>>
        %dma_wait3A_474 = arith.constant 0 : i32
        %dma_wait3A_475 = arith.constant 0 : i32
        %dma_wait3A_476 = arith.constant 0 : i32
        %dma_wait3A_477 = tpu.memref_slice %arg7[%arg1, %dma_wait3A_474, %dma_wait3A_475, %dma_wait3A_476] : memref<16x2x8x2048xf32, #tpu.memory_space<vmem_shared>> -> memref<1x2x8x2048xf32, #tpu.memory_space<vmem_shared>>
        %dma_wait3A_478 = tpu.memref_squeeze %dma_wait3A_477 : memref<1x2x8x2048xf32, #tpu.memory_space<vmem_shared>> -> memref<2x8x2048xf32, #tpu.memory_space<vmem_shared>>
        %dma_wait3A_479 = arith.constant 0 : i32
        %dma_wait3A_480 = arith.constant 0 : i32
        %dma_wait3A_481 = tpu.memref_slice %dma_wait3A_478[%dma_wait3A_471, %dma_wait3A_479, %dma_wait3A_480] : memref<2x8x2048xf32, #tpu.memory_space<vmem_shared>> -> memref<1x8x2048xf32, #tpu.memory_space<vmem_shared>>
        %dma_wait3A_482 = tpu.memref_squeeze %dma_wait3A_481 : memref<1x8x2048xf32, #tpu.memory_space<vmem_shared>> -> memref<8x2048xf32, #tpu.memory_space<vmem_shared>>
        tpu.wait_dma2 semaphore(%arg14 : memref<!tpu.dma_semaphore, #tpu.memory_space<semaphore_mem>>) src(%dma_wait3A_482 : memref<8x2048xf32, #tpu.memory_space<vmem_shared>>) dst(%dma_wait3A_473 : memref<8x2048xf32, #tpu.memory_space<hbm>>)
      } else {
      }
      %dma_start3A_88 = arith.constant 0 : i32
      %dma_start3A_89 = arith.constant 0 : i32
      %dma_start3A_90 = arith.constant 0 : i32
      %dma_start3A_91 = arith.constant 0 : i32
      %dma_start3A_92 = tpu.memref_slice %arg6[%dma_start3A_88, %dma_start3A_90, %dma_start3A_91] : memref<4x8x2048xf32, #tpu.memory_space<vmem>> -> memref<1x8x2048xf32, #tpu.memory_space<vmem>>
      %dma_start3A_93 = tpu.memref_squeeze %dma_start3A_92 : memref<1x8x2048xf32, #tpu.memory_space<vmem>> -> memref<8x2048xf32, #tpu.memory_space<vmem>>
      %dma_start3A_94 = arith.constant 0 : i32
      %dma_start3A_95 = arith.constant 0 : i32
      %dma_start3A_96 = arith.constant 0 : i32
      %dma_start3A_97 = tpu.memref_slice %arg7[%arg1, %dma_start3A_94, %dma_start3A_95, %dma_start3A_96] : memref<16x2x8x2048xf32, #tpu.memory_space<vmem_shared>> -> memref<1x2x8x2048xf32, #tpu.memory_space<vmem_shared>>
      %dma_start3A_98 = tpu.memref_squeeze %dma_start3A_97 : memref<1x2x8x2048xf32, #tpu.memory_space<vmem_shared>> -> memref<2x8x2048xf32, #tpu.memory_space<vmem_shared>>
      %dma_start3A_99 = arith.constant 0 : i32
      %dma_start3A_100 = arith.constant 0 : i32
      %dma_start3A_101 = tpu.memref_slice %dma_start3A_98[%dma_start3A_89, %dma_start3A_99, %dma_start3A_100] : memref<2x8x2048xf32, #tpu.memory_space<vmem_shared>> -> memref<1x8x2048xf32, #tpu.memory_space<vmem_shared>>
      %dma_start3A_102 = tpu.memref_squeeze %dma_start3A_101 : memref<1x8x2048xf32, #tpu.memory_space<vmem_shared>> -> memref<8x2048xf32, #tpu.memory_space<vmem_shared>>
      %dma_start3A_103 = arith.constant 0 : i32
      %dma_start3A_104 = arith.constant 0 : i32
      %dma_start3A_105 = arith.constant 0 : i32
      %dma_start3A_106 = tpu.memref_slice %arg7[%arg1, %dma_start3A_103, %dma_start3A_104, %dma_start3A_105] : memref<16x2x8x2048xf32, #tpu.memory_space<vmem_shared>> -> memref<1x2x8x2048xf32, #tpu.memory_space<vmem_shared>>
      %dma_start3A_107 = tpu.memref_squeeze %dma_start3A_106 : memref<1x2x8x2048xf32, #tpu.memory_space<vmem_shared>> -> memref<2x8x2048xf32, #tpu.memory_space<vmem_shared>>
      %dma_start3A_108 = arith.constant 0 : i32
      %dma_start3A_109 = arith.constant 0 : i32
      %dma_start3A_110 = tpu.memref_slice %dma_start3A_107[%dma_start3A_89, %dma_start3A_108, %dma_start3A_109] : memref<2x8x2048xf32, #tpu.memory_space<vmem_shared>> -> memref<1x8x2048xf32, #tpu.memory_space<vmem_shared>>
      %dma_start3A_111 = tpu.memref_squeeze %dma_start3A_110 : memref<1x8x2048xf32, #tpu.memory_space<vmem_shared>> -> memref<8x2048xf32, #tpu.memory_space<vmem_shared>>
      %dma_start3A_112 = arith.constant 0 : i32
      %dma_start3A_113 = arith.constant 0 : i32
      %dma_start3A_114 = tpu.memref_slice %arg6[%dma_start3A_88, %dma_start3A_112, %dma_start3A_113] : memref<4x8x2048xf32, #tpu.memory_space<vmem>> -> memref<1x8x2048xf32, #tpu.memory_space<vmem>>
      %dma_start3A_115 = tpu.memref_squeeze %dma_start3A_114 : memref<1x8x2048xf32, #tpu.memory_space<vmem>> -> memref<8x2048xf32, #tpu.memory_space<vmem>>
      tpu.enqueue_dma source(%dma_start3A_115 : memref<8x2048xf32, #tpu.memory_space<vmem>>) target(%dma_start3A_111 : memref<8x2048xf32, #tpu.memory_space<vmem_shared>>) target_semaphore(%arg12 : memref<!tpu.dma_semaphore, #tpu.memory_space<semaphore_mem>>)
      %dma_wait3A_116 = arith.constant 0 : i32
      %dma_wait3A_117 = arith.constant 0 : i32
      %dma_wait3A_118 = arith.constant 0 : i32
      %dma_wait3A_119 = arith.constant 0 : i32
      %dma_wait3A_120 = tpu.memref_slice %arg6[%dma_wait3A_116, %dma_wait3A_118, %dma_wait3A_119] : memref<4x8x2048xf32, #tpu.memory_space<vmem>> -> memref<1x8x2048xf32, #tpu.memory_space<vmem>>
      %dma_wait3A_121 = tpu.memref_squeeze %dma_wait3A_120 : memref<1x8x2048xf32, #tpu.memory_space<vmem>> -> memref<8x2048xf32, #tpu.memory_space<vmem>>
      %dma_wait3A_122 = arith.constant 0 : i32
      %dma_wait3A_123 = arith.constant 0 : i32
      %dma_wait3A_124 = arith.constant 0 : i32
      %dma_wait3A_125 = tpu.memref_slice %arg7[%arg1, %dma_wait3A_122, %dma_wait3A_123, %dma_wait3A_124] : memref<16x2x8x2048xf32, #tpu.memory_space<vmem_shared>> -> memref<1x2x8x2048xf32, #tpu.memory_space<vmem_shared>>
      %dma_wait3A_126 = tpu.memref_squeeze %dma_wait3A_125 : memref<1x2x8x2048xf32, #tpu.memory_space<vmem_shared>> -> memref<2x8x2048xf32, #tpu.memory_space<vmem_shared>>
      %dma_wait3A_127 = arith.constant 0 : i32
      %dma_wait3A_128 = arith.constant 0 : i32
      %dma_wait3A_129 = tpu.memref_slice %dma_wait3A_126[%dma_wait3A_117, %dma_wait3A_127, %dma_wait3A_128] : memref<2x8x2048xf32, #tpu.memory_space<vmem_shared>> -> memref<1x8x2048xf32, #tpu.memory_space<vmem_shared>>
      %dma_wait3A_130 = tpu.memref_squeeze %dma_wait3A_129 : memref<1x8x2048xf32, #tpu.memory_space<vmem_shared>> -> memref<8x2048xf32, #tpu.memory_space<vmem_shared>>
      %dma_wait3A_131 = arith.constant 0 : i32
      %dma_wait3A_132 = arith.constant 0 : i32
      %dma_wait3A_133 = arith.constant 0 : i32
      %dma_wait3A_134 = tpu.memref_slice %arg7[%arg1, %dma_wait3A_131, %dma_wait3A_132, %dma_wait3A_133] : memref<16x2x8x2048xf32, #tpu.memory_space<vmem_shared>> -> memref<1x2x8x2048xf32, #tpu.memory_space<vmem_shared>>
      %dma_wait3A_135 = tpu.memref_squeeze %dma_wait3A_134 : memref<1x2x8x2048xf32, #tpu.memory_space<vmem_shared>> -> memref<2x8x2048xf32, #tpu.memory_space<vmem_shared>>
      %dma_wait3A_136 = arith.constant 0 : i32
      %dma_wait3A_137 = arith.constant 0 : i32
      %dma_wait3A_138 = tpu.memref_slice %dma_wait3A_135[%dma_wait3A_117, %dma_wait3A_136, %dma_wait3A_137] : memref<2x8x2048xf32, #tpu.memory_space<vmem_shared>> -> memref<1x8x2048xf32, #tpu.memory_space<vmem_shared>>
      %dma_wait3A_139 = tpu.memref_squeeze %dma_wait3A_138 : memref<1x8x2048xf32, #tpu.memory_space<vmem_shared>> -> memref<8x2048xf32, #tpu.memory_space<vmem_shared>>
      %dma_wait3A_140 = arith.constant 0 : i32
      %dma_wait3A_141 = arith.constant 0 : i32
      %dma_wait3A_142 = tpu.memref_slice %arg6[%dma_wait3A_116, %dma_wait3A_140, %dma_wait3A_141] : memref<4x8x2048xf32, #tpu.memory_space<vmem>> -> memref<1x8x2048xf32, #tpu.memory_space<vmem>>
      %dma_wait3A_143 = tpu.memref_squeeze %dma_wait3A_142 : memref<1x8x2048xf32, #tpu.memory_space<vmem>> -> memref<8x2048xf32, #tpu.memory_space<vmem>>
      tpu.wait_dma2 semaphore(%arg12 : memref<!tpu.dma_semaphore, #tpu.memory_space<semaphore_mem>>) src(%dma_wait3A_143 : memref<8x2048xf32, #tpu.memory_space<vmem>>) dst(%dma_wait3A_139 : memref<8x2048xf32, #tpu.memory_space<vmem_shared>>)
      %mul3A_144 = arith.constant 8 : i32
      %mul3A_145 = arith.muli %add3A_70, %mul3A_144 : i32
      %add3A_146 = arith.addi %mul3A_2, %mul3A_145 : i32
      %dma_start3A_147 = arith.constant 0 : i32
      %dma_start3A_148 = arith.constant 0 : i32
      %dma_start3A_149 = tpu.memref_slice %arg4[%add3A_146, %dma_start3A_148] : memref<16384x2048xf32, #tpu.memory_space<hbm>> -> memref<8x2048xf32, #tpu.memory_space<hbm>>
      %dma_start3A_150 = arith.constant 0 : i32
      %dma_start3A_151 = arith.constant 0 : i32
      %dma_start3A_152 = arith.constant 0 : i32
      %dma_start3A_153 = tpu.memref_slice %arg7[%arg1, %dma_start3A_150, %dma_start3A_151, %dma_start3A_152] : memref<16x2x8x2048xf32, #tpu.memory_space<vmem_shared>> -> memref<1x2x8x2048xf32, #tpu.memory_space<vmem_shared>>
      %dma_start3A_154 = tpu.memref_squeeze %dma_start3A_153 : memref<1x2x8x2048xf32, #tpu.memory_space<vmem_shared>> -> memref<2x8x2048xf32, #tpu.memory_space<vmem_shared>>
      %dma_start3A_155 = arith.constant 0 : i32
      %dma_start3A_156 = arith.constant 0 : i32
      %dma_start3A_157 = tpu.memref_slice %dma_start3A_154[%dma_start3A_147, %dma_start3A_155, %dma_start3A_156] : memref<2x8x2048xf32, #tpu.memory_space<vmem_shared>> -> memref<1x8x2048xf32, #tpu.memory_space<vmem_shared>>
      %dma_start3A_158 = tpu.memref_squeeze %dma_start3A_157 : memref<1x8x2048xf32, #tpu.memory_space<vmem_shared>> -> memref<8x2048xf32, #tpu.memory_space<vmem_shared>>
      tpu.enqueue_dma source(%dma_start3A_158 : memref<8x2048xf32, #tpu.memory_space<vmem_shared>>) target(%dma_start3A_149 : memref<8x2048xf32, #tpu.memory_space<hbm>>) target_semaphore(%arg14 : memref<!tpu.dma_semaphore, #tpu.memory_space<semaphore_mem>>)
      %add3A_159 = arith.constant 3 : i32
      %add3A_160 = arith.addi %add3A_70, %add3A_159 : i32
      %lt3A = arith.constant 64 : i32
      %lt3A_161 = arith.cmpi slt, %add3A_160, %lt3A : i32
      %convert_element_type3A_162 = arith.extui %lt3A_161 : i1 to i32
      %cond3A_163 = arith.constant 0 : i32
      %cond3A_164 = arith.cmpi ne, %convert_element_type3A_162, %cond3A_163 : i32
      scf.if %cond3A_164 {
        %add3A_471 = arith.constant 3 : i32
        %add3A_472 = arith.addi %add3A_70, %add3A_471 : i32
        %dma_start3A_473 = arith.constant 3 : i32
        %dma_start3A_474 = arith.constant 0 : i32
        %dma_start3A_475 = arith.constant 0 : i32
        %dma_start3A_476 = tpu.memref_slice %arg6[%dma_start3A_473, %dma_start3A_474, %dma_start3A_475] : memref<4x8x2048xf32, #tpu.memory_space<vmem>> -> memref<1x8x2048xf32, #tpu.memory_space<vmem>>
        %dma_start3A_477 = tpu.memref_squeeze %dma_start3A_476 : memref<1x8x2048xf32, #tpu.memory_space<vmem>> -> memref<8x2048xf32, #tpu.memory_space<vmem>>
        %dma_start3A_478 = arith.constant 0 : i32
        %dma_start3A_479 = tpu.memref_slice %arg5[%add3A_472, %dma_start3A_478] : memref<64x8xi32, #tpu.memory_space<vmem>> -> memref<1x8xi32, #tpu.memory_space<vmem>>
        %dma_start3A_480 = tpu.memref_squeeze %dma_start3A_479 : memref<1x8xi32, #tpu.memory_space<vmem>> -> memref<8xi32, #tpu.memory_space<vmem>>
        %dma_start3A_481 = arith.constant 0 : i32
        %dma_start3A_482 = arith.constant 0 : i32
        %dma_start3A_483 = tpu.memref_slice %arg2[%dma_start3A_481, %dma_start3A_482] : memref<16384x2048xf32, #tpu.memory_space<hbm>> -> memref<16384x2048xf32, #tpu.memory_space<hbm>>
        tpu.enqueue_indirect_dma source(%dma_start3A_483 : memref<16384x2048xf32, #tpu.memory_space<hbm>>) target(%dma_start3A_477 : memref<8x2048xf32, #tpu.memory_space<vmem>>) offsets(%dma_start3A_480 : memref<8xi32, #tpu.memory_space<vmem>>) semaphore(%arg11 : memref<!tpu.dma_semaphore, #tpu.memory_space<semaphore_mem>>)
      } else {
      }
      %mul3A_165 = arith.constant 4 : i32
      %mul3A_166 = arith.muli %mul3A_165, %scan3A_66 : i32
      %add3A_167 = arith.constant 1 : i32
      %add3A_168 = arith.addi %mul3A_166, %add3A_167 : i32
      %dma_wait3A_169 = arith.constant 1 : i32
      %dma_wait3A_170 = arith.constant 0 : i32
      %dma_wait3A_171 = arith.constant 0 : i32
      %dma_wait3A_172 = tpu.memref_slice %arg6[%dma_wait3A_169, %dma_wait3A_170, %dma_wait3A_171] : memref<4x8x2048xf32, #tpu.memory_space<vmem>> -> memref<1x8x2048xf32, #tpu.memory_space<vmem>>
      %dma_wait3A_173 = tpu.memref_squeeze %dma_wait3A_172 : memref<1x8x2048xf32, #tpu.memory_space<vmem>> -> memref<8x2048xf32, #tpu.memory_space<vmem>>
      %dma_wait3A_174 = arith.constant 0 : i32
      %dma_wait3A_175 = arith.constant 0 : i32
      %dma_wait3A_176 = tpu.memref_slice %arg2[%dma_wait3A_174, %dma_wait3A_175] : memref<16384x2048xf32, #tpu.memory_space<hbm>> -> memref<8x2048xf32, #tpu.memory_space<hbm>>
      %dma_wait3A_177 = arith.constant 0 : i32
      %dma_wait3A_178 = arith.constant 0 : i32
      %dma_wait3A_179 = tpu.memref_slice %arg6[%dma_wait3A_169, %dma_wait3A_177, %dma_wait3A_178] : memref<4x8x2048xf32, #tpu.memory_space<vmem>> -> memref<1x8x2048xf32, #tpu.memory_space<vmem>>
      %dma_wait3A_180 = tpu.memref_squeeze %dma_wait3A_179 : memref<1x8x2048xf32, #tpu.memory_space<vmem>> -> memref<8x2048xf32, #tpu.memory_space<vmem>>
      %dma_wait3A_181 = arith.constant 0 : i32
      %dma_wait3A_182 = arith.constant 0 : i32
      %dma_wait3A_183 = tpu.memref_slice %arg2[%dma_wait3A_181, %dma_wait3A_182] : memref<16384x2048xf32, #tpu.memory_space<hbm>> -> memref<8x2048xf32, #tpu.memory_space<hbm>>
      tpu.wait_dma2 semaphore(%arg9 : memref<!tpu.dma_semaphore, #tpu.memory_space<semaphore_mem>>) src(%dma_wait3A_183 : memref<8x2048xf32, #tpu.memory_space<hbm>>) dst(%dma_wait3A_180 : memref<8x2048xf32, #tpu.memory_space<vmem>>)
      %ge3A_184 = arith.constant 2 : i32
      %ge3A_185 = arith.cmpi sge, %add3A_168, %ge3A_184 : i32
      %convert_element_type3A_186 = arith.extui %ge3A_185 : i1 to i32
      %cond3A_187 = arith.constant 0 : i32
      %cond3A_188 = arith.cmpi ne, %convert_element_type3A_186, %cond3A_187 : i32
      scf.if %cond3A_188 {
        %dma_wait3A_471 = arith.constant 1 : i32
        %dma_wait3A_472 = arith.constant 0 : i32
        %dma_wait3A_473 = tpu.memref_slice %arg4[%mul3A_2, %dma_wait3A_472] : memref<16384x2048xf32, #tpu.memory_space<hbm>> -> memref<8x2048xf32, #tpu.memory_space<hbm>>
        %dma_wait3A_474 = arith.constant 0 : i32
        %dma_wait3A_475 = arith.constant 0 : i32
        %dma_wait3A_476 = arith.constant 0 : i32
        %dma_wait3A_477 = tpu.memref_slice %arg7[%arg1, %dma_wait3A_474, %dma_wait3A_475, %dma_wait3A_476] : memref<16x2x8x2048xf32, #tpu.memory_space<vmem_shared>> -> memref<1x2x8x2048xf32, #tpu.memory_space<vmem_shared>>
        %dma_wait3A_478 = tpu.memref_squeeze %dma_wait3A_477 : memref<1x2x8x2048xf32, #tpu.memory_space<vmem_shared>> -> memref<2x8x2048xf32, #tpu.memory_space<vmem_shared>>
        %dma_wait3A_479 = arith.constant 0 : i32
        %dma_wait3A_480 = arith.constant 0 : i32
        %dma_wait3A_481 = tpu.memref_slice %dma_wait3A_478[%dma_wait3A_471, %dma_wait3A_479, %dma_wait3A_480] : memref<2x8x2048xf32, #tpu.memory_space<vmem_shared>> -> memref<1x8x2048xf32, #tpu.memory_space<vmem_shared>>
        %dma_wait3A_482 = tpu.memref_squeeze %dma_wait3A_481 : memref<1x8x2048xf32, #tpu.memory_space<vmem_shared>> -> memref<8x2048xf32, #tpu.memory_space<vmem_shared>>
        tpu.wait_dma2 semaphore(%arg15 : memref<!tpu.dma_semaphore, #tpu.memory_space<semaphore_mem>>) src(%dma_wait3A_482 : memref<8x2048xf32, #tpu.memory_space<vmem_shared>>) dst(%dma_wait3A_473 : memref<8x2048xf32, #tpu.memory_space<hbm>>)
      } else {
      }
      %dma_start3A_189 = arith.constant 1 : i32
      %dma_start3A_190 = arith.constant 1 : i32
      %dma_start3A_191 = arith.constant 0 : i32
      %dma_start3A_192 = arith.constant 0 : i32
      %dma_start3A_193 = tpu.memref_slice %arg6[%dma_start3A_189, %dma_start3A_191, %dma_start3A_192] : memref<4x8x2048xf32, #tpu.memory_space<vmem>> -> memref<1x8x2048xf32, #tpu.memory_space<vmem>>
      %dma_start3A_194 = tpu.memref_squeeze %dma_start3A_193 : memref<1x8x2048xf32, #tpu.memory_space<vmem>> -> memref<8x2048xf32, #tpu.memory_space<vmem>>
      %dma_start3A_195 = arith.constant 0 : i32
      %dma_start3A_196 = arith.constant 0 : i32
      %dma_start3A_197 = arith.constant 0 : i32
      %dma_start3A_198 = tpu.memref_slice %arg7[%arg1, %dma_start3A_195, %dma_start3A_196, %dma_start3A_197] : memref<16x2x8x2048xf32, #tpu.memory_space<vmem_shared>> -> memref<1x2x8x2048xf32, #tpu.memory_space<vmem_shared>>
      %dma_start3A_199 = tpu.memref_squeeze %dma_start3A_198 : memref<1x2x8x2048xf32, #tpu.memory_space<vmem_shared>> -> memref<2x8x2048xf32, #tpu.memory_space<vmem_shared>>
      %dma_start3A_200 = arith.constant 0 : i32
      %dma_start3A_201 = arith.constant 0 : i32
      %dma_start3A_202 = tpu.memref_slice %dma_start3A_199[%dma_start3A_190, %dma_start3A_200, %dma_start3A_201] : memref<2x8x2048xf32, #tpu.memory_space<vmem_shared>> -> memref<1x8x2048xf32, #tpu.memory_space<vmem_shared>>
      %dma_start3A_203 = tpu.memref_squeeze %dma_start3A_202 : memref<1x8x2048xf32, #tpu.memory_space<vmem_shared>> -> memref<8x2048xf32, #tpu.memory_space<vmem_shared>>
      %dma_start3A_204 = arith.constant 0 : i32
      %dma_start3A_205 = arith.constant 0 : i32
      %dma_start3A_206 = arith.constant 0 : i32
      %dma_start3A_207 = tpu.memref_slice %arg7[%arg1, %dma_start3A_204, %dma_start3A_205, %dma_start3A_206] : memref<16x2x8x2048xf32, #tpu.memory_space<vmem_shared>> -> memref<1x2x8x2048xf32, #tpu.memory_space<vmem_shared>>
      %dma_start3A_208 = tpu.memref_squeeze %dma_start3A_207 : memref<1x2x8x2048xf32, #tpu.memory_space<vmem_shared>> -> memref<2x8x2048xf32, #tpu.memory_space<vmem_shared>>
      %dma_start3A_209 = arith.constant 0 : i32
      %dma_start3A_210 = arith.constant 0 : i32
      %dma_start3A_211 = tpu.memref_slice %dma_start3A_208[%dma_start3A_190, %dma_start3A_209, %dma_start3A_210] : memref<2x8x2048xf32, #tpu.memory_space<vmem_shared>> -> memref<1x8x2048xf32, #tpu.memory_space<vmem_shared>>
      %dma_start3A_212 = tpu.memref_squeeze %dma_start3A_211 : memref<1x8x2048xf32, #tpu.memory_space<vmem_shared>> -> memref<8x2048xf32, #tpu.memory_space<vmem_shared>>
      %dma_start3A_213 = arith.constant 0 : i32
      %dma_start3A_214 = arith.constant 0 : i32
      %dma_start3A_215 = tpu.memref_slice %arg6[%dma_start3A_189, %dma_start3A_213, %dma_start3A_214] : memref<4x8x2048xf32, #tpu.memory_space<vmem>> -> memref<1x8x2048xf32, #tpu.memory_space<vmem>>
      %dma_start3A_216 = tpu.memref_squeeze %dma_start3A_215 : memref<1x8x2048xf32, #tpu.memory_space<vmem>> -> memref<8x2048xf32, #tpu.memory_space<vmem>>
      tpu.enqueue_dma source(%dma_start3A_216 : memref<8x2048xf32, #tpu.memory_space<vmem>>) target(%dma_start3A_212 : memref<8x2048xf32, #tpu.memory_space<vmem_shared>>) target_semaphore(%arg13 : memref<!tpu.dma_semaphore, #tpu.memory_space<semaphore_mem>>)
      %dma_wait3A_217 = arith.constant 1 : i32
      %dma_wait3A_218 = arith.constant 1 : i32
      %dma_wait3A_219 = arith.constant 0 : i32
      %dma_wait3A_220 = arith.constant 0 : i32
      %dma_wait3A_221 = tpu.memref_slice %arg6[%dma_wait3A_217, %dma_wait3A_219, %dma_wait3A_220] : memref<4x8x2048xf32, #tpu.memory_space<vmem>> -> memref<1x8x2048xf32, #tpu.memory_space<vmem>>
      %dma_wait3A_222 = tpu.memref_squeeze %dma_wait3A_221 : memref<1x8x2048xf32, #tpu.memory_space<vmem>> -> memref<8x2048xf32, #tpu.memory_space<vmem>>
      %dma_wait3A_223 = arith.constant 0 : i32
      %dma_wait3A_224 = arith.constant 0 : i32
      %dma_wait3A_225 = arith.constant 0 : i32
      %dma_wait3A_226 = tpu.memref_slice %arg7[%arg1, %dma_wait3A_223, %dma_wait3A_224, %dma_wait3A_225] : memref<16x2x8x2048xf32, #tpu.memory_space<vmem_shared>> -> memref<1x2x8x2048xf32, #tpu.memory_space<vmem_shared>>
      %dma_wait3A_227 = tpu.memref_squeeze %dma_wait3A_226 : memref<1x2x8x2048xf32, #tpu.memory_space<vmem_shared>> -> memref<2x8x2048xf32, #tpu.memory_space<vmem_shared>>
      %dma_wait3A_228 = arith.constant 0 : i32
      %dma_wait3A_229 = arith.constant 0 : i32
      %dma_wait3A_230 = tpu.memref_slice %dma_wait3A_227[%dma_wait3A_218, %dma_wait3A_228, %dma_wait3A_229] : memref<2x8x2048xf32, #tpu.memory_space<vmem_shared>> -> memref<1x8x2048xf32, #tpu.memory_space<vmem_shared>>
      %dma_wait3A_231 = tpu.memref_squeeze %dma_wait3A_230 : memref<1x8x2048xf32, #tpu.memory_space<vmem_shared>> -> memref<8x2048xf32, #tpu.memory_space<vmem_shared>>
      %dma_wait3A_232 = arith.constant 0 : i32
      %dma_wait3A_233 = arith.constant 0 : i32
      %dma_wait3A_234 = arith.constant 0 : i32
      %dma_wait3A_235 = tpu.memref_slice %arg7[%arg1, %dma_wait3A_232, %dma_wait3A_233, %dma_wait3A_234] : memref<16x2x8x2048xf32, #tpu.memory_space<vmem_shared>> -> memref<1x2x8x2048xf32, #tpu.memory_space<vmem_shared>>
      %dma_wait3A_236 = tpu.memref_squeeze %dma_wait3A_235 : memref<1x2x8x2048xf32, #tpu.memory_space<vmem_shared>> -> memref<2x8x2048xf32, #tpu.memory_space<vmem_shared>>
      %dma_wait3A_237 = arith.constant 0 : i32
      %dma_wait3A_238 = arith.constant 0 : i32
      %dma_wait3A_239 = tpu.memref_slice %dma_wait3A_236[%dma_wait3A_218, %dma_wait3A_237, %dma_wait3A_238] : memref<2x8x2048xf32, #tpu.memory_space<vmem_shared>> -> memref<1x8x2048xf32, #tpu.memory_space<vmem_shared>>
      %dma_wait3A_240 = tpu.memref_squeeze %dma_wait3A_239 : memref<1x8x2048xf32, #tpu.memory_space<vmem_shared>> -> memref<8x2048xf32, #tpu.memory_space<vmem_shared>>
      %dma_wait3A_241 = arith.constant 0 : i32
      %dma_wait3A_242 = arith.constant 0 : i32
      %dma_wait3A_243 = tpu.memref_slice %arg6[%dma_wait3A_217, %dma_wait3A_241, %dma_wait3A_242] : memref<4x8x2048xf32, #tpu.memory_space<vmem>> -> memref<1x8x2048xf32, #tpu.memory_space<vmem>>
      %dma_wait3A_244 = tpu.memref_squeeze %dma_wait3A_243 : memref<1x8x2048xf32, #tpu.memory_space<vmem>> -> memref<8x2048xf32, #tpu.memory_space<vmem>>
      tpu.wait_dma2 semaphore(%arg13 : memref<!tpu.dma_semaphore, #tpu.memory_space<semaphore_mem>>) src(%dma_wait3A_244 : memref<8x2048xf32, #tpu.memory_space<vmem>>) dst(%dma_wait3A_240 : memref<8x2048xf32, #tpu.memory_space<vmem_shared>>)
      %mul3A_245 = arith.constant 8 : i32
      %mul3A_246 = arith.muli %add3A_168, %mul3A_245 : i32
      %add3A_247 = arith.addi %mul3A_2, %mul3A_246 : i32
      %dma_start3A_248 = arith.constant 1 : i32
      %dma_start3A_249 = arith.constant 0 : i32
      %dma_start3A_250 = tpu.memref_slice %arg4[%add3A_247, %dma_start3A_249] : memref<16384x2048xf32, #tpu.memory_space<hbm>> -> memref<8x2048xf32, #tpu.memory_space<hbm>>
      %dma_start3A_251 = arith.constant 0 : i32
      %dma_start3A_252 = arith.constant 0 : i32
      %dma_start3A_253 = arith.constant 0 : i32
      %dma_start3A_254 = tpu.memref_slice %arg7[%arg1, %dma_start3A_251, %dma_start3A_252, %dma_start3A_253] : memref<16x2x8x2048xf32, #tpu.memory_space<vmem_shared>> -> memref<1x2x8x2048xf32, #tpu.memory_space<vmem_shared>>
      %dma_start3A_255 = tpu.memref_squeeze %dma_start3A_254 : memref<1x2x8x2048xf32, #tpu.memory_space<vmem_shared>> -> memref<2x8x2048xf32, #tpu.memory_space<vmem_shared>>
      %dma_start3A_256 = arith.constant 0 : i32
      %dma_start3A_257 = arith.constant 0 : i32
      %dma_start3A_258 = tpu.memref_slice %dma_start3A_255[%dma_start3A_248, %dma_start3A_256, %dma_start3A_257] : memref<2x8x2048xf32, #tpu.memory_space<vmem_shared>> -> memref<1x8x2048xf32, #tpu.memory_space<vmem_shared>>
      %dma_start3A_259 = tpu.memref_squeeze %dma_start3A_258 : memref<1x8x2048xf32, #tpu.memory_space<vmem_shared>> -> memref<8x2048xf32, #tpu.memory_space<vmem_shared>>
      tpu.enqueue_dma source(%dma_start3A_259 : memref<8x2048xf32, #tpu.memory_space<vmem_shared>>) target(%dma_start3A_250 : memref<8x2048xf32, #tpu.memory_space<hbm>>) target_semaphore(%arg15 : memref<!tpu.dma_semaphore, #tpu.memory_space<semaphore_mem>>)
      %add3A_260 = arith.constant 3 : i32
      %add3A_261 = arith.addi %add3A_168, %add3A_260 : i32
      %lt3A_262 = arith.constant 64 : i32
      %lt3A_263 = arith.cmpi slt, %add3A_261, %lt3A_262 : i32
      %convert_element_type3A_264 = arith.extui %lt3A_263 : i1 to i32
      %cond3A_265 = arith.constant 0 : i32
      %cond3A_266 = arith.cmpi ne, %convert_element_type3A_264, %cond3A_265 : i32
      scf.if %cond3A_266 {
        %add3A_471 = arith.constant 3 : i32
        %add3A_472 = arith.addi %add3A_168, %add3A_471 : i32
        %dma_start3A_473 = arith.constant 0 : i32
        %dma_start3A_474 = arith.constant 0 : i32
        %dma_start3A_475 = arith.constant 0 : i32
        %dma_start3A_476 = tpu.memref_slice %arg6[%dma_start3A_473, %dma_start3A_474, %dma_start3A_475] : memref<4x8x2048xf32, #tpu.memory_space<vmem>> -> memref<1x8x2048xf32, #tpu.memory_space<vmem>>
        %dma_start3A_477 = tpu.memref_squeeze %dma_start3A_476 : memref<1x8x2048xf32, #tpu.memory_space<vmem>> -> memref<8x2048xf32, #tpu.memory_space<vmem>>
        %dma_start3A_478 = arith.constant 0 : i32
        %dma_start3A_479 = tpu.memref_slice %arg5[%add3A_472, %dma_start3A_478] : memref<64x8xi32, #tpu.memory_space<vmem>> -> memref<1x8xi32, #tpu.memory_space<vmem>>
        %dma_start3A_480 = tpu.memref_squeeze %dma_start3A_479 : memref<1x8xi32, #tpu.memory_space<vmem>> -> memref<8xi32, #tpu.memory_space<vmem>>
        %dma_start3A_481 = arith.constant 0 : i32
        %dma_start3A_482 = arith.constant 0 : i32
        %dma_start3A_483 = tpu.memref_slice %arg2[%dma_start3A_481, %dma_start3A_482] : memref<16384x2048xf32, #tpu.memory_space<hbm>> -> memref<16384x2048xf32, #tpu.memory_space<hbm>>
        tpu.enqueue_indirect_dma source(%dma_start3A_483 : memref<16384x2048xf32, #tpu.memory_space<hbm>>) target(%dma_start3A_477 : memref<8x2048xf32, #tpu.memory_space<vmem>>) offsets(%dma_start3A_480 : memref<8xi32, #tpu.memory_space<vmem>>) semaphore(%arg8 : memref<!tpu.dma_semaphore, #tpu.memory_space<semaphore_mem>>)
      } else {
      }
      %mul3A_267 = arith.constant 4 : i32
      %mul3A_268 = arith.muli %mul3A_267, %scan3A_66 : i32
      %add3A_269 = arith.constant 2 : i32
      %add3A_270 = arith.addi %mul3A_268, %add3A_269 : i32
      %dma_wait3A_271 = arith.constant 2 : i32
      %dma_wait3A_272 = arith.constant 0 : i32
      %dma_wait3A_273 = arith.constant 0 : i32
      %dma_wait3A_274 = tpu.memref_slice %arg6[%dma_wait3A_271, %dma_wait3A_272, %dma_wait3A_273] : memref<4x8x2048xf32, #tpu.memory_space<vmem>> -> memref<1x8x2048xf32, #tpu.memory_space<vmem>>
      %dma_wait3A_275 = tpu.memref_squeeze %dma_wait3A_274 : memref<1x8x2048xf32, #tpu.memory_space<vmem>> -> memref<8x2048xf32, #tpu.memory_space<vmem>>
      %dma_wait3A_276 = arith.constant 0 : i32
      %dma_wait3A_277 = arith.constant 0 : i32
      %dma_wait3A_278 = tpu.memref_slice %arg2[%dma_wait3A_276, %dma_wait3A_277] : memref<16384x2048xf32, #tpu.memory_space<hbm>> -> memref<8x2048xf32, #tpu.memory_space<hbm>>
      %dma_wait3A_279 = arith.constant 0 : i32
      %dma_wait3A_280 = arith.constant 0 : i32
      %dma_wait3A_281 = tpu.memref_slice %arg6[%dma_wait3A_271, %dma_wait3A_279, %dma_wait3A_280] : memref<4x8x2048xf32, #tpu.memory_space<vmem>> -> memref<1x8x2048xf32, #tpu.memory_space<vmem>>
      %dma_wait3A_282 = tpu.memref_squeeze %dma_wait3A_281 : memref<1x8x2048xf32, #tpu.memory_space<vmem>> -> memref<8x2048xf32, #tpu.memory_space<vmem>>
      %dma_wait3A_283 = arith.constant 0 : i32
      %dma_wait3A_284 = arith.constant 0 : i32
      %dma_wait3A_285 = tpu.memref_slice %arg2[%dma_wait3A_283, %dma_wait3A_284] : memref<16384x2048xf32, #tpu.memory_space<hbm>> -> memref<8x2048xf32, #tpu.memory_space<hbm>>
      tpu.wait_dma2 semaphore(%arg10 : memref<!tpu.dma_semaphore, #tpu.memory_space<semaphore_mem>>) src(%dma_wait3A_285 : memref<8x2048xf32, #tpu.memory_space<hbm>>) dst(%dma_wait3A_282 : memref<8x2048xf32, #tpu.memory_space<vmem>>)
      %ge3A_286 = arith.constant 2 : i32
      %ge3A_287 = arith.cmpi sge, %add3A_270, %ge3A_286 : i32
      %convert_element_type3A_288 = arith.extui %ge3A_287 : i1 to i32
      %cond3A_289 = arith.constant 0 : i32
      %cond3A_290 = arith.cmpi ne, %convert_element_type3A_288, %cond3A_289 : i32
      scf.if %cond3A_290 {
        %dma_wait3A_471 = arith.constant 0 : i32
        %dma_wait3A_472 = arith.constant 0 : i32
        %dma_wait3A_473 = tpu.memref_slice %arg4[%mul3A_2, %dma_wait3A_472] : memref<16384x2048xf32, #tpu.memory_space<hbm>> -> memref<8x2048xf32, #tpu.memory_space<hbm>>
        %dma_wait3A_474 = arith.constant 0 : i32
        %dma_wait3A_475 = arith.constant 0 : i32
        %dma_wait3A_476 = arith.constant 0 : i32
        %dma_wait3A_477 = tpu.memref_slice %arg7[%arg1, %dma_wait3A_474, %dma_wait3A_475, %dma_wait3A_476] : memref<16x2x8x2048xf32, #tpu.memory_space<vmem_shared>> -> memref<1x2x8x2048xf32, #tpu.memory_space<vmem_shared>>
        %dma_wait3A_478 = tpu.memref_squeeze %dma_wait3A_477 : memref<1x2x8x2048xf32, #tpu.memory_space<vmem_shared>> -> memref<2x8x2048xf32, #tpu.memory_space<vmem_shared>>
        %dma_wait3A_479 = arith.constant 0 : i32
        %dma_wait3A_480 = arith.constant 0 : i32
        %dma_wait3A_481 = tpu.memref_slice %dma_wait3A_478[%dma_wait3A_471, %dma_wait3A_479, %dma_wait3A_480] : memref<2x8x2048xf32, #tpu.memory_space<vmem_shared>> -> memref<1x8x2048xf32, #tpu.memory_space<vmem_shared>>
        %dma_wait3A_482 = tpu.memref_squeeze %dma_wait3A_481 : memref<1x8x2048xf32, #tpu.memory_space<vmem_shared>> -> memref<8x2048xf32, #tpu.memory_space<vmem_shared>>
        tpu.wait_dma2 semaphore(%arg14 : memref<!tpu.dma_semaphore, #tpu.memory_space<semaphore_mem>>) src(%dma_wait3A_482 : memref<8x2048xf32, #tpu.memory_space<vmem_shared>>) dst(%dma_wait3A_473 : memref<8x2048xf32, #tpu.memory_space<hbm>>)
      } else {
      }
      %dma_start3A_291 = arith.constant 2 : i32
      %dma_start3A_292 = arith.constant 0 : i32
      %dma_start3A_293 = arith.constant 0 : i32
      %dma_start3A_294 = arith.constant 0 : i32
      %dma_start3A_295 = tpu.memref_slice %arg6[%dma_start3A_291, %dma_start3A_293, %dma_start3A_294] : memref<4x8x2048xf32, #tpu.memory_space<vmem>> -> memref<1x8x2048xf32, #tpu.memory_space<vmem>>
      %dma_start3A_296 = tpu.memref_squeeze %dma_start3A_295 : memref<1x8x2048xf32, #tpu.memory_space<vmem>> -> memref<8x2048xf32, #tpu.memory_space<vmem>>
      %dma_start3A_297 = arith.constant 0 : i32
      %dma_start3A_298 = arith.constant 0 : i32
      %dma_start3A_299 = arith.constant 0 : i32
      %dma_start3A_300 = tpu.memref_slice %arg7[%arg1, %dma_start3A_297, %dma_start3A_298, %dma_start3A_299] : memref<16x2x8x2048xf32, #tpu.memory_space<vmem_shared>> -> memref<1x2x8x2048xf32, #tpu.memory_space<vmem_shared>>
      %dma_start3A_301 = tpu.memref_squeeze %dma_start3A_300 : memref<1x2x8x2048xf32, #tpu.memory_space<vmem_shared>> -> memref<2x8x2048xf32, #tpu.memory_space<vmem_shared>>
      %dma_start3A_302 = arith.constant 0 : i32
      %dma_start3A_303 = arith.constant 0 : i32
      %dma_start3A_304 = tpu.memref_slice %dma_start3A_301[%dma_start3A_292, %dma_start3A_302, %dma_start3A_303] : memref<2x8x2048xf32, #tpu.memory_space<vmem_shared>> -> memref<1x8x2048xf32, #tpu.memory_space<vmem_shared>>
      %dma_start3A_305 = tpu.memref_squeeze %dma_start3A_304 : memref<1x8x2048xf32, #tpu.memory_space<vmem_shared>> -> memref<8x2048xf32, #tpu.memory_space<vmem_shared>>
      %dma_start3A_306 = arith.constant 0 : i32
      %dma_start3A_307 = arith.constant 0 : i32
      %dma_start3A_308 = arith.constant 0 : i32
      %dma_start3A_309 = tpu.memref_slice %arg7[%arg1, %dma_start3A_306, %dma_start3A_307, %dma_start3A_308] : memref<16x2x8x2048xf32, #tpu.memory_space<vmem_shared>> -> memref<1x2x8x2048xf32, #tpu.memory_space<vmem_shared>>
      %dma_start3A_310 = tpu.memref_squeeze %dma_start3A_309 : memref<1x2x8x2048xf32, #tpu.memory_space<vmem_shared>> -> memref<2x8x2048xf32, #tpu.memory_space<vmem_shared>>
      %dma_start3A_311 = arith.constant 0 : i32
      %dma_start3A_312 = arith.constant 0 : i32
      %dma_start3A_313 = tpu.memref_slice %dma_start3A_310[%dma_start3A_292, %dma_start3A_311, %dma_start3A_312] : memref<2x8x2048xf32, #tpu.memory_space<vmem_shared>> -> memref<1x8x2048xf32, #tpu.memory_space<vmem_shared>>
      %dma_start3A_314 = tpu.memref_squeeze %dma_start3A_313 : memref<1x8x2048xf32, #tpu.memory_space<vmem_shared>> -> memref<8x2048xf32, #tpu.memory_space<vmem_shared>>
      %dma_start3A_315 = arith.constant 0 : i32
      %dma_start3A_316 = arith.constant 0 : i32
      %dma_start3A_317 = tpu.memref_slice %arg6[%dma_start3A_291, %dma_start3A_315, %dma_start3A_316] : memref<4x8x2048xf32, #tpu.memory_space<vmem>> -> memref<1x8x2048xf32, #tpu.memory_space<vmem>>
      %dma_start3A_318 = tpu.memref_squeeze %dma_start3A_317 : memref<1x8x2048xf32, #tpu.memory_space<vmem>> -> memref<8x2048xf32, #tpu.memory_space<vmem>>
      tpu.enqueue_dma source(%dma_start3A_318 : memref<8x2048xf32, #tpu.memory_space<vmem>>) target(%dma_start3A_314 : memref<8x2048xf32, #tpu.memory_space<vmem_shared>>) target_semaphore(%arg12 : memref<!tpu.dma_semaphore, #tpu.memory_space<semaphore_mem>>)
      %dma_wait3A_319 = arith.constant 2 : i32
      %dma_wait3A_320 = arith.constant 0 : i32
      %dma_wait3A_321 = arith.constant 0 : i32
      %dma_wait3A_322 = arith.constant 0 : i32
      %dma_wait3A_323 = tpu.memref_slice %arg6[%dma_wait3A_319, %dma_wait3A_321, %dma_wait3A_322] : memref<4x8x2048xf32, #tpu.memory_space<vmem>> -> memref<1x8x2048xf32, #tpu.memory_space<vmem>>
      %dma_wait3A_324 = tpu.memref_squeeze %dma_wait3A_323 : memref<1x8x2048xf32, #tpu.memory_space<vmem>> -> memref<8x2048xf32, #tpu.memory_space<vmem>>
      %dma_wait3A_325 = arith.constant 0 : i32
      %dma_wait3A_326 = arith.constant 0 : i32
      %dma_wait3A_327 = arith.constant 0 : i32
      %dma_wait3A_328 = tpu.memref_slice %arg7[%arg1, %dma_wait3A_325, %dma_wait3A_326, %dma_wait3A_327] : memref<16x2x8x2048xf32, #tpu.memory_space<vmem_shared>> -> memref<1x2x8x2048xf32, #tpu.memory_space<vmem_shared>>
      %dma_wait3A_329 = tpu.memref_squeeze %dma_wait3A_328 : memref<1x2x8x2048xf32, #tpu.memory_space<vmem_shared>> -> memref<2x8x2048xf32, #tpu.memory_space<vmem_shared>>
      %dma_wait3A_330 = arith.constant 0 : i32
      %dma_wait3A_331 = arith.constant 0 : i32
      %dma_wait3A_332 = tpu.memref_slice %dma_wait3A_329[%dma_wait3A_320, %dma_wait3A_330, %dma_wait3A_331] : memref<2x8x2048xf32, #tpu.memory_space<vmem_shared>> -> memref<1x8x2048xf32, #tpu.memory_space<vmem_shared>>
      %dma_wait3A_333 = tpu.memref_squeeze %dma_wait3A_332 : memref<1x8x2048xf32, #tpu.memory_space<vmem_shared>> -> memref<8x2048xf32, #tpu.memory_space<vmem_shared>>
      %dma_wait3A_334 = arith.constant 0 : i32
      %dma_wait3A_335 = arith.constant 0 : i32
      %dma_wait3A_336 = arith.constant 0 : i32
      %dma_wait3A_337 = tpu.memref_slice %arg7[%arg1, %dma_wait3A_334, %dma_wait3A_335, %dma_wait3A_336] : memref<16x2x8x2048xf32, #tpu.memory_space<vmem_shared>> -> memref<1x2x8x2048xf32, #tpu.memory_space<vmem_shared>>
      %dma_wait3A_338 = tpu.memref_squeeze %dma_wait3A_337 : memref<1x2x8x2048xf32, #tpu.memory_space<vmem_shared>> -> memref<2x8x2048xf32, #tpu.memory_space<vmem_shared>>
      %dma_wait3A_339 = arith.constant 0 : i32
      %dma_wait3A_340 = arith.constant 0 : i32
      %dma_wait3A_341 = tpu.memref_slice %dma_wait3A_338[%dma_wait3A_320, %dma_wait3A_339, %dma_wait3A_340] : memref<2x8x2048xf32, #tpu.memory_space<vmem_shared>> -> memref<1x8x2048xf32, #tpu.memory_space<vmem_shared>>
      %dma_wait3A_342 = tpu.memref_squeeze %dma_wait3A_341 : memref<1x8x2048xf32, #tpu.memory_space<vmem_shared>> -> memref<8x2048xf32, #tpu.memory_space<vmem_shared>>
      %dma_wait3A_343 = arith.constant 0 : i32
      %dma_wait3A_344 = arith.constant 0 : i32
      %dma_wait3A_345 = tpu.memref_slice %arg6[%dma_wait3A_319, %dma_wait3A_343, %dma_wait3A_344] : memref<4x8x2048xf32, #tpu.memory_space<vmem>> -> memref<1x8x2048xf32, #tpu.memory_space<vmem>>
      %dma_wait3A_346 = tpu.memref_squeeze %dma_wait3A_345 : memref<1x8x2048xf32, #tpu.memory_space<vmem>> -> memref<8x2048xf32, #tpu.memory_space<vmem>>
      tpu.wait_dma2 semaphore(%arg12 : memref<!tpu.dma_semaphore, #tpu.memory_space<semaphore_mem>>) src(%dma_wait3A_346 : memref<8x2048xf32, #tpu.memory_space<vmem>>) dst(%dma_wait3A_342 : memref<8x2048xf32, #tpu.memory_space<vmem_shared>>)
      %mul3A_347 = arith.constant 8 : i32
      %mul3A_348 = arith.muli %add3A_270, %mul3A_347 : i32
      %add3A_349 = arith.addi %mul3A_2, %mul3A_348 : i32
      %dma_start3A_350 = arith.constant 0 : i32
      %dma_start3A_351 = arith.constant 0 : i32
      %dma_start3A_352 = tpu.memref_slice %arg4[%add3A_349, %dma_start3A_351] : memref<16384x2048xf32, #tpu.memory_space<hbm>> -> memref<8x2048xf32, #tpu.memory_space<hbm>>
      %dma_start3A_353 = arith.constant 0 : i32
      %dma_start3A_354 = arith.constant 0 : i32
      %dma_start3A_355 = arith.constant 0 : i32
      %dma_start3A_356 = tpu.memref_slice %arg7[%arg1, %dma_start3A_353, %dma_start3A_354, %dma_start3A_355] : memref<16x2x8x2048xf32, #tpu.memory_space<vmem_shared>> -> memref<1x2x8x2048xf32, #tpu.memory_space<vmem_shared>>
      %dma_start3A_357 = tpu.memref_squeeze %dma_start3A_356 : memref<1x2x8x2048xf32, #tpu.memory_space<vmem_shared>> -> memref<2x8x2048xf32, #tpu.memory_space<vmem_shared>>
      %dma_start3A_358 = arith.constant 0 : i32
      %dma_start3A_359 = arith.constant 0 : i32
      %dma_start3A_360 = tpu.memref_slice %dma_start3A_357[%dma_start3A_350, %dma_start3A_358, %dma_start3A_359] : memref<2x8x2048xf32, #tpu.memory_space<vmem_shared>> -> memref<1x8x2048xf32, #tpu.memory_space<vmem_shared>>
      %dma_start3A_361 = tpu.memref_squeeze %dma_start3A_360 : memref<1x8x2048xf32, #tpu.memory_space<vmem_shared>> -> memref<8x2048xf32, #tpu.memory_space<vmem_shared>>
      tpu.enqueue_dma source(%dma_start3A_361 : memref<8x2048xf32, #tpu.memory_space<vmem_shared>>) target(%dma_start3A_352 : memref<8x2048xf32, #tpu.memory_space<hbm>>) target_semaphore(%arg14 : memref<!tpu.dma_semaphore, #tpu.memory_space<semaphore_mem>>)
      %add3A_362 = arith.constant 3 : i32
      %add3A_363 = arith.addi %add3A_270, %add3A_362 : i32
      %lt3A_364 = arith.constant 64 : i32
      %lt3A_365 = arith.cmpi slt, %add3A_363, %lt3A_364 : i32
      %convert_element_type3A_366 = arith.extui %lt3A_365 : i1 to i32
      %cond3A_367 = arith.constant 0 : i32
      %cond3A_368 = arith.cmpi ne, %convert_element_type3A_366, %cond3A_367 : i32
      scf.if %cond3A_368 {
        %add3A_471 = arith.constant 3 : i32
        %add3A_472 = arith.addi %add3A_270, %add3A_471 : i32
        %dma_start3A_473 = arith.constant 1 : i32
        %dma_start3A_474 = arith.constant 0 : i32
        %dma_start3A_475 = arith.constant 0 : i32
        %dma_start3A_476 = tpu.memref_slice %arg6[%dma_start3A_473, %dma_start3A_474, %dma_start3A_475] : memref<4x8x2048xf32, #tpu.memory_space<vmem>> -> memref<1x8x2048xf32, #tpu.memory_space<vmem>>
        %dma_start3A_477 = tpu.memref_squeeze %dma_start3A_476 : memref<1x8x2048xf32, #tpu.memory_space<vmem>> -> memref<8x2048xf32, #tpu.memory_space<vmem>>
        %dma_start3A_478 = arith.constant 0 : i32
        %dma_start3A_479 = tpu.memref_slice %arg5[%add3A_472, %dma_start3A_478] : memref<64x8xi32, #tpu.memory_space<vmem>> -> memref<1x8xi32, #tpu.memory_space<vmem>>
        %dma_start3A_480 = tpu.memref_squeeze %dma_start3A_479 : memref<1x8xi32, #tpu.memory_space<vmem>> -> memref<8xi32, #tpu.memory_space<vmem>>
        %dma_start3A_481 = arith.constant 0 : i32
        %dma_start3A_482 = arith.constant 0 : i32
        %dma_start3A_483 = tpu.memref_slice %arg2[%dma_start3A_481, %dma_start3A_482] : memref<16384x2048xf32, #tpu.memory_space<hbm>> -> memref<16384x2048xf32, #tpu.memory_space<hbm>>
        tpu.enqueue_indirect_dma source(%dma_start3A_483 : memref<16384x2048xf32, #tpu.memory_space<hbm>>) target(%dma_start3A_477 : memref<8x2048xf32, #tpu.memory_space<vmem>>) offsets(%dma_start3A_480 : memref<8xi32, #tpu.memory_space<vmem>>) semaphore(%arg9 : memref<!tpu.dma_semaphore, #tpu.memory_space<semaphore_mem>>)
      } else {
      }
      %mul3A_369 = arith.constant 4 : i32
      %mul3A_370 = arith.muli %mul3A_369, %scan3A_66 : i32
      %add3A_371 = arith.constant 3 : i32
      %add3A_372 = arith.addi %mul3A_370, %add3A_371 : i32
      %dma_wait3A_373 = arith.constant 3 : i32
      %dma_wait3A_374 = arith.constant 0 : i32
      %dma_wait3A_375 = arith.constant 0 : i32
      %dma_wait3A_376 = tpu.memref_slice %arg6[%dma_wait3A_373, %dma_wait3A_374, %dma_wait3A_375] : memref<4x8x2048xf32, #tpu.memory_space<vmem>> -> memref<1x8x2048xf32, #tpu.memory_space<vmem>>
      %dma_wait3A_377 = tpu.memref_squeeze %dma_wait3A_376 : memref<1x8x2048xf32, #tpu.memory_space<vmem>> -> memref<8x2048xf32, #tpu.memory_space<vmem>>
      %dma_wait3A_378 = arith.constant 0 : i32
      %dma_wait3A_379 = arith.constant 0 : i32
      %dma_wait3A_380 = tpu.memref_slice %arg2[%dma_wait3A_378, %dma_wait3A_379] : memref<16384x2048xf32, #tpu.memory_space<hbm>> -> memref<8x2048xf32, #tpu.memory_space<hbm>>
      %dma_wait3A_381 = arith.constant 0 : i32
      %dma_wait3A_382 = arith.constant 0 : i32
      %dma_wait3A_383 = tpu.memref_slice %arg6[%dma_wait3A_373, %dma_wait3A_381, %dma_wait3A_382] : memref<4x8x2048xf32, #tpu.memory_space<vmem>> -> memref<1x8x2048xf32, #tpu.memory_space<vmem>>
      %dma_wait3A_384 = tpu.memref_squeeze %dma_wait3A_383 : memref<1x8x2048xf32, #tpu.memory_space<vmem>> -> memref<8x2048xf32, #tpu.memory_space<vmem>>
      %dma_wait3A_385 = arith.constant 0 : i32
      %dma_wait3A_386 = arith.constant 0 : i32
      %dma_wait3A_387 = tpu.memref_slice %arg2[%dma_wait3A_385, %dma_wait3A_386] : memref<16384x2048xf32, #tpu.memory_space<hbm>> -> memref<8x2048xf32, #tpu.memory_space<hbm>>
      tpu.wait_dma2 semaphore(%arg11 : memref<!tpu.dma_semaphore, #tpu.memory_space<semaphore_mem>>) src(%dma_wait3A_387 : memref<8x2048xf32, #tpu.memory_space<hbm>>) dst(%dma_wait3A_384 : memref<8x2048xf32, #tpu.memory_space<vmem>>)
      %ge3A_388 = arith.constant 2 : i32
      %ge3A_389 = arith.cmpi sge, %add3A_372, %ge3A_388 : i32
      %convert_element_type3A_390 = arith.extui %ge3A_389 : i1 to i32
      %cond3A_391 = arith.constant 0 : i32
      %cond3A_392 = arith.cmpi ne, %convert_element_type3A_390, %cond3A_391 : i32
      scf.if %cond3A_392 {
        %dma_wait3A_471 = arith.constant 1 : i32
        %dma_wait3A_472 = arith.constant 0 : i32
        %dma_wait3A_473 = tpu.memref_slice %arg4[%mul3A_2, %dma_wait3A_472] : memref<16384x2048xf32, #tpu.memory_space<hbm>> -> memref<8x2048xf32, #tpu.memory_space<hbm>>
        %dma_wait3A_474 = arith.constant 0 : i32
        %dma_wait3A_475 = arith.constant 0 : i32
        %dma_wait3A_476 = arith.constant 0 : i32
        %dma_wait3A_477 = tpu.memref_slice %arg7[%arg1, %dma_wait3A_474, %dma_wait3A_475, %dma_wait3A_476] : memref<16x2x8x2048xf32, #tpu.memory_space<vmem_shared>> -> memref<1x2x8x2048xf32, #tpu.memory_space<vmem_shared>>
        %dma_wait3A_478 = tpu.memref_squeeze %dma_wait3A_477 : memref<1x2x8x2048xf32, #tpu.memory_space<vmem_shared>> -> memref<2x8x2048xf32, #tpu.memory_space<vmem_shared>>
        %dma_wait3A_479 = arith.constant 0 : i32
        %dma_wait3A_480 = arith.constant 0 : i32
        %dma_wait3A_481 = tpu.memref_slice %dma_wait3A_478[%dma_wait3A_471, %dma_wait3A_479, %dma_wait3A_480] : memref<2x8x2048xf32, #tpu.memory_space<vmem_shared>> -> memref<1x8x2048xf32, #tpu.memory_space<vmem_shared>>
        %dma_wait3A_482 = tpu.memref_squeeze %dma_wait3A_481 : memref<1x8x2048xf32, #tpu.memory_space<vmem_shared>> -> memref<8x2048xf32, #tpu.memory_space<vmem_shared>>
        tpu.wait_dma2 semaphore(%arg15 : memref<!tpu.dma_semaphore, #tpu.memory_space<semaphore_mem>>) src(%dma_wait3A_482 : memref<8x2048xf32, #tpu.memory_space<vmem_shared>>) dst(%dma_wait3A_473 : memref<8x2048xf32, #tpu.memory_space<hbm>>)
      } else {
      }
      %dma_start3A_393 = arith.constant 3 : i32
      %dma_start3A_394 = arith.constant 1 : i32
      %dma_start3A_395 = arith.constant 0 : i32
      %dma_start3A_396 = arith.constant 0 : i32
      %dma_start3A_397 = tpu.memref_slice %arg6[%dma_start3A_393, %dma_start3A_395, %dma_start3A_396] : memref<4x8x2048xf32, #tpu.memory_space<vmem>> -> memref<1x8x2048xf32, #tpu.memory_space<vmem>>
      %dma_start3A_398 = tpu.memref_squeeze %dma_start3A_397 : memref<1x8x2048xf32, #tpu.memory_space<vmem>> -> memref<8x2048xf32, #tpu.memory_space<vmem>>
      %dma_start3A_399 = arith.constant 0 : i32
      %dma_start3A_400 = arith.constant 0 : i32
      %dma_start3A_401 = arith.constant 0 : i32
      %dma_start3A_402 = tpu.memref_slice %arg7[%arg1, %dma_start3A_399, %dma_start3A_400, %dma_start3A_401] : memref<16x2x8x2048xf32, #tpu.memory_space<vmem_shared>> -> memref<1x2x8x2048xf32, #tpu.memory_space<vmem_shared>>
      %dma_start3A_403 = tpu.memref_squeeze %dma_start3A_402 : memref<1x2x8x2048xf32, #tpu.memory_space<vmem_shared>> -> memref<2x8x2048xf32, #tpu.memory_space<vmem_shared>>
      %dma_start3A_404 = arith.constant 0 : i32
      %dma_start3A_405 = arith.constant 0 : i32
      %dma_start3A_406 = tpu.memref_slice %dma_start3A_403[%dma_start3A_394, %dma_start3A_404, %dma_start3A_405] : memref<2x8x2048xf32, #tpu.memory_space<vmem_shared>> -> memref<1x8x2048xf32, #tpu.memory_space<vmem_shared>>
      %dma_start3A_407 = tpu.memref_squeeze %dma_start3A_406 : memref<1x8x2048xf32, #tpu.memory_space<vmem_shared>> -> memref<8x2048xf32, #tpu.memory_space<vmem_shared>>
      %dma_start3A_408 = arith.constant 0 : i32
      %dma_start3A_409 = arith.constant 0 : i32
      %dma_start3A_410 = arith.constant 0 : i32
      %dma_start3A_411 = tpu.memref_slice %arg7[%arg1, %dma_start3A_408, %dma_start3A_409, %dma_start3A_410] : memref<16x2x8x2048xf32, #tpu.memory_space<vmem_shared>> -> memref<1x2x8x2048xf32, #tpu.memory_space<vmem_shared>>
      %dma_start3A_412 = tpu.memref_squeeze %dma_start3A_411 : memref<1x2x8x2048xf32, #tpu.memory_space<vmem_shared>> -> memref<2x8x2048xf32, #tpu.memory_space<vmem_shared>>
      %dma_start3A_413 = arith.constant 0 : i32
      %dma_start3A_414 = arith.constant 0 : i32
      %dma_start3A_415 = tpu.memref_slice %dma_start3A_412[%dma_start3A_394, %dma_start3A_413, %dma_start3A_414] : memref<2x8x2048xf32, #tpu.memory_space<vmem_shared>> -> memref<1x8x2048xf32, #tpu.memory_space<vmem_shared>>
      %dma_start3A_416 = tpu.memref_squeeze %dma_start3A_415 : memref<1x8x2048xf32, #tpu.memory_space<vmem_shared>> -> memref<8x2048xf32, #tpu.memory_space<vmem_shared>>
      %dma_start3A_417 = arith.constant 0 : i32
      %dma_start3A_418 = arith.constant 0 : i32
      %dma_start3A_419 = tpu.memref_slice %arg6[%dma_start3A_393, %dma_start3A_417, %dma_start3A_418] : memref<4x8x2048xf32, #tpu.memory_space<vmem>> -> memref<1x8x2048xf32, #tpu.memory_space<vmem>>
      %dma_start3A_420 = tpu.memref_squeeze %dma_start3A_419 : memref<1x8x2048xf32, #tpu.memory_space<vmem>> -> memref<8x2048xf32, #tpu.memory_space<vmem>>
      tpu.enqueue_dma source(%dma_start3A_420 : memref<8x2048xf32, #tpu.memory_space<vmem>>) target(%dma_start3A_416 : memref<8x2048xf32, #tpu.memory_space<vmem_shared>>) target_semaphore(%arg13 : memref<!tpu.dma_semaphore, #tpu.memory_space<semaphore_mem>>)
      %dma_wait3A_421 = arith.constant 3 : i32
      %dma_wait3A_422 = arith.constant 1 : i32
      %dma_wait3A_423 = arith.constant 0 : i32
      %dma_wait3A_424 = arith.constant 0 : i32
      %dma_wait3A_425 = tpu.memref_slice %arg6[%dma_wait3A_421, %dma_wait3A_423, %dma_wait3A_424] : memref<4x8x2048xf32, #tpu.memory_space<vmem>> -> memref<1x8x2048xf32, #tpu.memory_space<vmem>>
      %dma_wait3A_426 = tpu.memref_squeeze %dma_wait3A_425 : memref<1x8x2048xf32, #tpu.memory_space<vmem>> -> memref<8x2048xf32, #tpu.memory_space<vmem>>
      %dma_wait3A_427 = arith.constant 0 : i32
      %dma_wait3A_428 = arith.constant 0 : i32
      %dma_wait3A_429 = arith.constant 0 : i32
      %dma_wait3A_430 = tpu.memref_slice %arg7[%arg1, %dma_wait3A_427, %dma_wait3A_428, %dma_wait3A_429] : memref<16x2x8x2048xf32, #tpu.memory_space<vmem_shared>> -> memref<1x2x8x2048xf32, #tpu.memory_space<vmem_shared>>
      %dma_wait3A_431 = tpu.memref_squeeze %dma_wait3A_430 : memref<1x2x8x2048xf32, #tpu.memory_space<vmem_shared>> -> memref<2x8x2048xf32, #tpu.memory_space<vmem_shared>>
      %dma_wait3A_432 = arith.constant 0 : i32
      %dma_wait3A_433 = arith.constant 0 : i32
      %dma_wait3A_434 = tpu.memref_slice %dma_wait3A_431[%dma_wait3A_422, %dma_wait3A_432, %dma_wait3A_433] : memref<2x8x2048xf32, #tpu.memory_space<vmem_shared>> -> memref<1x8x2048xf32, #tpu.memory_space<vmem_shared>>
      %dma_wait3A_435 = tpu.memref_squeeze %dma_wait3A_434 : memref<1x8x2048xf32, #tpu.memory_space<vmem_shared>> -> memref<8x2048xf32, #tpu.memory_space<vmem_shared>>
      %dma_wait3A_436 = arith.constant 0 : i32
      %dma_wait3A_437 = arith.constant 0 : i32
      %dma_wait3A_438 = arith.constant 0 : i32
      %dma_wait3A_439 = tpu.memref_slice %arg7[%arg1, %dma_wait3A_436, %dma_wait3A_437, %dma_wait3A_438] : memref<16x2x8x2048xf32, #tpu.memory_space<vmem_shared>> -> memref<1x2x8x2048xf32, #tpu.memory_space<vmem_shared>>
      %dma_wait3A_440 = tpu.memref_squeeze %dma_wait3A_439 : memref<1x2x8x2048xf32, #tpu.memory_space<vmem_shared>> -> memref<2x8x2048xf32, #tpu.memory_space<vmem_shared>>
      %dma_wait3A_441 = arith.constant 0 : i32
      %dma_wait3A_442 = arith.constant 0 : i32
      %dma_wait3A_443 = tpu.memref_slice %dma_wait3A_440[%dma_wait3A_422, %dma_wait3A_441, %dma_wait3A_442] : memref<2x8x2048xf32, #tpu.memory_space<vmem_shared>> -> memref<1x8x2048xf32, #tpu.memory_space<vmem_shared>>
      %dma_wait3A_444 = tpu.memref_squeeze %dma_wait3A_443 : memref<1x8x2048xf32, #tpu.memory_space<vmem_shared>> -> memref<8x2048xf32, #tpu.memory_space<vmem_shared>>
      %dma_wait3A_445 = arith.constant 0 : i32
      %dma_wait3A_446 = arith.constant 0 : i32
      %dma_wait3A_447 = tpu.memref_slice %arg6[%dma_wait3A_421, %dma_wait3A_445, %dma_wait3A_446] : memref<4x8x2048xf32, #tpu.memory_space<vmem>> -> memref<1x8x2048xf32, #tpu.memory_space<vmem>>
      %dma_wait3A_448 = tpu.memref_squeeze %dma_wait3A_447 : memref<1x8x2048xf32, #tpu.memory_space<vmem>> -> memref<8x2048xf32, #tpu.memory_space<vmem>>
      tpu.wait_dma2 semaphore(%arg13 : memref<!tpu.dma_semaphore, #tpu.memory_space<semaphore_mem>>) src(%dma_wait3A_448 : memref<8x2048xf32, #tpu.memory_space<vmem>>) dst(%dma_wait3A_444 : memref<8x2048xf32, #tpu.memory_space<vmem_shared>>)
      %mul3A_449 = arith.constant 8 : i32
      %mul3A_450 = arith.muli %add3A_372, %mul3A_449 : i32
      %add3A_451 = arith.addi %mul3A_2, %mul3A_450 : i32
      %dma_start3A_452 = arith.constant 1 : i32
      %dma_start3A_453 = arith.constant 0 : i32
      %dma_start3A_454 = tpu.memref_slice %arg4[%add3A_451, %dma_start3A_453] : memref<16384x2048xf32, #tpu.memory_space<hbm>> -> memref<8x2048xf32, #tpu.memory_space<hbm>>
      %dma_start3A_455 = arith.constant 0 : i32
      %dma_start3A_456 = arith.constant 0 : i32
      %dma_start3A_457 = arith.constant 0 : i32
      %dma_start3A_458 = tpu.memref_slice %arg7[%arg1, %dma_start3A_455, %dma_start3A_456, %dma_start3A_457] : memref<16x2x8x2048xf32, #tpu.memory_space<vmem_shared>> -> memref<1x2x8x2048xf32, #tpu.memory_space<vmem_shared>>
      %dma_start3A_459 = tpu.memref_squeeze %dma_start3A_458 : memref<1x2x8x2048xf32, #tpu.memory_space<vmem_shared>> -> memref<2x8x2048xf32, #tpu.memory_space<vmem_shared>>
      %dma_start3A_460 = arith.constant 0 : i32
      %dma_start3A_461 = arith.constant 0 : i32
      %dma_start3A_462 = tpu.memref_slice %dma_start3A_459[%dma_start3A_452, %dma_start3A_460, %dma_start3A_461] : memref<2x8x2048xf32, #tpu.memory_space<vmem_shared>> -> memref<1x8x2048xf32, #tpu.memory_space<vmem_shared>>
      %dma_start3A_463 = tpu.memref_squeeze %dma_start3A_462 : memref<1x8x2048xf32, #tpu.memory_space<vmem_shared>> -> memref<8x2048xf32, #tpu.memory_space<vmem_shared>>
      tpu.enqueue_dma source(%dma_start3A_463 : memref<8x2048xf32, #tpu.memory_space<vmem_shared>>) target(%dma_start3A_454 : memref<8x2048xf32, #tpu.memory_space<hbm>>) target_semaphore(%arg15 : memref<!tpu.dma_semaphore, #tpu.memory_space<semaphore_mem>>)
      %add3A_464 = arith.constant 3 : i32
      %add3A_465 = arith.addi %add3A_372, %add3A_464 : i32
      %lt3A_466 = arith.constant 64 : i32
      %lt3A_467 = arith.cmpi slt, %add3A_465, %lt3A_466 : i32
      %convert_element_type3A_468 = arith.extui %lt3A_467 : i1 to i32
      %cond3A_469 = arith.constant 0 : i32
      %cond3A_470 = arith.cmpi ne, %convert_element_type3A_468, %cond3A_469 : i32
      scf.if %cond3A_470 {
        %add3A_471 = arith.constant 3 : i32
        %add3A_472 = arith.addi %add3A_372, %add3A_471 : i32
        %dma_start3A_473 = arith.constant 2 : i32
        %dma_start3A_474 = arith.constant 0 : i32
        %dma_start3A_475 = arith.constant 0 : i32
        %dma_start3A_476 = tpu.memref_slice %arg6[%dma_start3A_473, %dma_start3A_474, %dma_start3A_475] : memref<4x8x2048xf32, #tpu.memory_space<vmem>> -> memref<1x8x2048xf32, #tpu.memory_space<vmem>>
        %dma_start3A_477 = tpu.memref_squeeze %dma_start3A_476 : memref<1x8x2048xf32, #tpu.memory_space<vmem>> -> memref<8x2048xf32, #tpu.memory_space<vmem>>
        %dma_start3A_478 = arith.constant 0 : i32
        %dma_start3A_479 = tpu.memref_slice %arg5[%add3A_472, %dma_start3A_478] : memref<64x8xi32, #tpu.memory_space<vmem>> -> memref<1x8xi32, #tpu.memory_space<vmem>>
        %dma_start3A_480 = tpu.memref_squeeze %dma_start3A_479 : memref<1x8xi32, #tpu.memory_space<vmem>> -> memref<8xi32, #tpu.memory_space<vmem>>
        %dma_start3A_481 = arith.constant 0 : i32
        %dma_start3A_482 = arith.constant 0 : i32
        %dma_start3A_483 = tpu.memref_slice %arg2[%dma_start3A_481, %dma_start3A_482] : memref<16384x2048xf32, #tpu.memory_space<hbm>> -> memref<16384x2048xf32, #tpu.memory_space<hbm>>
        tpu.enqueue_indirect_dma source(%dma_start3A_483 : memref<16384x2048xf32, #tpu.memory_space<hbm>>) target(%dma_start3A_477 : memref<8x2048xf32, #tpu.memory_space<vmem>>) offsets(%dma_start3A_480 : memref<8xi32, #tpu.memory_space<vmem>>) semaphore(%arg10 : memref<!tpu.dma_semaphore, #tpu.memory_space<semaphore_mem>>)
      } else {
      }
    }
    %scan3A_42 = arith.constant 16 : i32
    %dma_wait3A = arith.constant 0 : i32
    %dma_wait3A_43 = arith.constant 0 : i32
    %dma_wait3A_44 = tpu.memref_slice %arg4[%mul3A_2, %dma_wait3A_43] : memref<16384x2048xf32, #tpu.memory_space<hbm>> -> memref<8x2048xf32, #tpu.memory_space<hbm>>
    %dma_wait3A_45 = arith.constant 0 : i32
    %dma_wait3A_46 = arith.constant 0 : i32
    %dma_wait3A_47 = arith.constant 0 : i32
    %dma_wait3A_48 = tpu.memref_slice %arg7[%arg1, %dma_wait3A_45, %dma_wait3A_46, %dma_wait3A_47] : memref<16x2x8x2048xf32, #tpu.memory_space<vmem_shared>> -> memref<1x2x8x2048xf32, #tpu.memory_space<vmem_shared>>
    %dma_wait3A_49 = tpu.memref_squeeze %dma_wait3A_48 : memref<1x2x8x2048xf32, #tpu.memory_space<vmem_shared>> -> memref<2x8x2048xf32, #tpu.memory_space<vmem_shared>>
    %dma_wait3A_50 = arith.constant 0 : i32
    %dma_wait3A_51 = arith.constant 0 : i32
    %dma_wait3A_52 = tpu.memref_slice %dma_wait3A_49[%dma_wait3A, %dma_wait3A_50, %dma_wait3A_51] : memref<2x8x2048xf32, #tpu.memory_space<vmem_shared>> -> memref<1x8x2048xf32, #tpu.memory_space<vmem_shared>>
    %dma_wait3A_53 = tpu.memref_squeeze %dma_wait3A_52 : memref<1x8x2048xf32, #tpu.memory_space<vmem_shared>> -> memref<8x2048xf32, #tpu.memory_space<vmem_shared>>
    tpu.wait_dma2 semaphore(%arg14 : memref<!tpu.dma_semaphore, #tpu.memory_space<semaphore_mem>>) src(%dma_wait3A_53 : memref<8x2048xf32, #tpu.memory_space<vmem_shared>>) dst(%dma_wait3A_44 : memref<8x2048xf32, #tpu.memory_space<hbm>>)
    %dma_wait3A_54 = arith.constant 1 : i32
    %dma_wait3A_55 = arith.constant 0 : i32
    %dma_wait3A_56 = tpu.memref_slice %arg4[%mul3A_2, %dma_wait3A_55] : memref<16384x2048xf32, #tpu.memory_space<hbm>> -> memref<8x2048xf32, #tpu.memory_space<hbm>>
    %dma_wait3A_57 = arith.constant 0 : i32
    %dma_wait3A_58 = arith.constant 0 : i32
    %dma_wait3A_59 = arith.constant 0 : i32
    %dma_wait3A_60 = tpu.memref_slice %arg7[%arg1, %dma_wait3A_57, %dma_wait3A_58, %dma_wait3A_59] : memref<16x2x8x2048xf32, #tpu.memory_space<vmem_shared>> -> memref<1x2x8x2048xf32, #tpu.memory_space<vmem_shared>>
    %dma_wait3A_61 = tpu.memref_squeeze %dma_wait3A_60 : memref<1x2x8x2048xf32, #tpu.memory_space<vmem_shared>> -> memref<2x8x2048xf32, #tpu.memory_space<vmem_shared>>
    %dma_wait3A_62 = arith.constant 0 : i32
    %dma_wait3A_63 = arith.constant 0 : i32
    %dma_wait3A_64 = tpu.memref_slice %dma_wait3A_61[%dma_wait3A_54, %dma_wait3A_62, %dma_wait3A_63] : memref<2x8x2048xf32, #tpu.memory_space<vmem_shared>> -> memref<1x8x2048xf32, #tpu.memory_space<vmem_shared>>
    %dma_wait3A_65 = tpu.memref_squeeze %dma_wait3A_64 : memref<1x8x2048xf32, #tpu.memory_space<vmem_shared>> -> memref<8x2048xf32, #tpu.memory_space<vmem_shared>>
    tpu.wait_dma2 semaphore(%arg15 : memref<!tpu.dma_semaphore, #tpu.memory_space<semaphore_mem>>) src(%dma_wait3A_65 : memref<8x2048xf32, #tpu.memory_space<vmem_shared>>) dst(%dma_wait3A_56 : memref<8x2048xf32, #tpu.memory_space<hbm>>)
    return
  }
}

</mosaic_0001>

<sc_bundles>
// kernel: _gather.3.cloned.1.call-start
scs
__scs_entry_jumppad:
0x0: {  	(pc) =	sbr.rel $0x88, $3  }
0x1: {  	(tag) =	ssettag $0x0;
	lr =	simm.s32 $0x1  }
0x2: {  	[smem:$0x3F9F] =	sst lr;
	_ =	strace $0xD0000000  }
0x3: {  	_ = 	snop  }
0x4: {  	_ = 	snop  }
0x5: {  	_ = 	snop  }
0x6: {  	_ = 	snop  }
0x7: {  	_ = 	snop  }
__scs_overlays_trampoline_lowered:
0x8: {  	[smem:$0x3FAE] =	sst s0  }
0x9: {  	[smem:$0x3FAF] =	sst s1  }
0xa: {  	[smem:$0x3FB0] =	sst s2  }
0xb: {  	[smem:$0x3FB1] =	sst s3  }
0xc: {  	[smem:$0x3FB2] =	sst s4  }
0xd: {  	[smem:$0x3FB3] =	sst s5  }
0xe: {  	[smem:$0x3FB4] =	sst s6  }
0xf: {  	[smem:$0x3FB5] =	sst s7  }
0x10: {  	[smem:$0x3FB6] =	sst s8  }
0x11: {  	[smem:$0x3FB7] =	sst s9;
	s0 =	simm.s32 @!p0 $0x0  }
0x12: {  	s1 =	sld [smem:$0x3F9D];
	s0 =	simm.s32 @p0 $0x1  }
0x13: {  	[smem:$0x3FB8] =	sst s0;
	s0 =	simm.s32 @!p1 $0x0  }
0x14: {  	s2 =	sld [smem:$0x3F9C];
	s0 =	simm.s32 @p1 $0x1  }
0x15: {  	[smem:$0x3FB9] =	sst s0;
	s0 =	simm.s32 @!p2 $0x0  }
0x16: {  	s3 =	sld [smem:$0x3FDB];
	s0 =	simm.s32 @p2 $0x1  }
0x17: {  	s4 =	simm.s32 $0x1BF5;
	[smem:$0x3FBB] =	sst s0  }
0x18: {  	s0 =	sld [smem:$0x3F9E];
	_ =	swait.ge [sflag:s4], $0x0  }
0x19: {  	s7 =	sld [smem:$0x3F9F]  }
0x1a: {  	s8 =	sadd.s32 $0xFFFFE003, lr  }
0x1b: {  	s9 =	sadd.s32 $0xFFFFFEF7, lr;
	s5 =	simm.s32 $0xFFFFFFFF;
	p2 =	slt.u32 s8, $0xFFFFF086  }
0x1c: {  	p1 =	slt.u32 s9, $0xF7A;
	s5 =	simm.s32 @!p2 $0x0  }
0x1d: {  	s5 =	simm.s32 @p1 $0x1;
	p0 =	seq.s32 s7, s2  }
0x1e: {  	s7 =	smul.u32 @!p0 $0xF7A, s2;
	p2 =	seq.s32 @!p0 s5, $0x0  }
0x1f: {  	s9 =	smul.u32 $0xF7A, s1;
	s8 =	simm.s32 @!p0 $0x1BF5;
	p2 =	por !p2, p0  }
0x20: {  	[sflag:s8] =	ssyncset.s32 @!p0 $0xFFFFF086;
	s6 =	sadd.s32 @!p0 s3, s7;
	s7 =	simm.s32 @!p0 $0x108  }
0x21: {  	s3 =	sadd.s32 s3, s9;
	s6 =	sadd.s32 @!p0 $0x88, s6;
	s7 =	simm.s32 @p2 $0x1082  }
0x22: {  	[simem:s7], [sflag:s8] =	dma.local @!p0 [hbm:s6], $0xF7A  }
0x23: {  	s9 =	sor.u32 $0xD0000000, s2;
	s6 =	simm.s32 $0x108;
	_ =	swait.ge @!p0 [sflag:s8], $0x0  }
0x24: {  	s3 =	sadd.s32 $0x88, s3;
	s6 =	simm.s32 @!p1 $0x1082;
	[sflag:s4] =	ssyncset.s32 $0xFFFFF086  }
0x25: {  	[simem:s6], [sflag:s4] =	dma.local [hbm:s3], $0xF7A  }
0x26: {  	[smem:$0x3F9F] =	sst s1;
	(tag) =	ssettag s2;
	_ =	strace s9  }
0x27: {  	s1 =	sld [smem:$0x3FAF]  }
0x28: {  	s2 =	sld [smem:$0x3FB0]  }
0x29: {  	s4 =	sld [smem:$0x3FB2]  }
0x2a: {  	p0 =	seq.s32 s5, $0x0;
	s5 =	sld [smem:$0x3FB3]  }
0x2b: {  	s6 =	sld [smem:$0x3FB4]  }
0x2c: {  	s7 =	sld [smem:$0x3FB5]  }
0x2d: {  	s3 =	simm.s32 $0x108;
	s8 =	sld [smem:$0x3FB6]  }
0x2e: {  	s3 =	simm.s32 @!p0 $0x1082;
	s9 =	sld [smem:$0x3FB7]  }
0x2f: {  	lr =	sadd.s32 s0, s3;
	s0 =	sld [smem:$0x3FAE]  }
0x30: {  	s3 =	sld [smem:$0x3FB1]  }
0x31: {  	[smem:$0x3FBA] =	sst s10  }
0x32: {  	s10 =	sld [smem:$0x3FB8];
	_ =	sdelay $0x3  }
0x33: {  	p0 =	seq.s32 s10, $0x1;
	s10 =	sld [smem:$0x3FBA];
	_ =	sdelay $0x3  }
0x34: {  	[smem:$0x3FBA] =	sst s10  }
0x35: {  	s10 =	sld [smem:$0x3FB9];
	_ =	sdelay $0x3  }
0x36: {  	p1 =	seq.s32 s10, $0x1;
	s10 =	sld [smem:$0x3FBA];
	_ =	sdelay $0x3  }
0x37: {  	[smem:$0x3FBA] =	sst s10  }
0x38: {  	s10 =	sld [smem:$0x3FBB]  }
0x39: {  	_ = 	snop;
	(pc) =	sbr.ind lr, $3  }
0x3a: {  	_ = 	snop  }
0x3b: {  	_ = 	snop  }
0x3c: {  	p2 =	seq.s32 s10, $0x1;
	s10 =	sld [smem:$0x3FBA]  }
0x3d: {  	_ =	shalt  }
0x3e: {  	_ =	shalt  }
0x3f: {  	_ =	shalt  }
0x40: {  	_ =	shalt  }
0x41: {  	_ =	shalt  }
0x42: {  	_ =	shalt  }
0x43: {  	_ =	shalt  }
0x44: {  	_ =	shalt  }
0x45: {  	_ =	shalt  }
0x46: {  	_ =	shalt  }
0x47: {  	_ =	shalt  }
0x48: {  	_ =	shalt  }
0x49: {  	_ =	shalt  }
0x4a: {  	_ =	shalt  }
0x4b: {  	_ =	shalt  }
0x4c: {  	_ =	shalt  }
0x4d: {  	_ =	shalt  }
0x4e: {  	_ =	shalt  }
0x4f: {  	_ =	shalt  }
0x50: {  	_ =	shalt  }
0x51: {  	_ =	shalt  }
0x52: {  	_ =	shalt  }
0x53: {  	_ =	shalt  }
0x54: {  	_ =	shalt  }
0x55: {  	_ =	shalt  }
0x56: {  	_ =	shalt  }
0x57: {  	_ =	shalt  }
0x58: {  	_ =	shalt  }
0x59: {  	_ =	shalt  }
0x5a: {  	_ =	shalt  }
0x5b: {  	_ =	shalt  }
0x5c: {  	_ =	shalt  }
0x5d: {  	_ =	shalt  }
0x5e: {  	_ =	shalt  }
0x5f: {  	_ =	shalt  }
0x60: {  	_ =	shalt  }
0x61: {  	_ =	shalt  }
0x62: {  	_ =	shalt  }
0x63: {  	_ =	shalt  }
0x64: {  	_ =	shalt  }
0x65: {  	_ =	shalt  }
0x66: {  	_ =	shalt  }
0x67: {  	_ =	shalt  }
0x68: {  	_ =	shalt  }
0x69: {  	_ =	shalt  }
0x6a: {  	_ =	shalt  }
0x6b: {  	_ =	shalt  }
0x6c: {  	_ =	shalt  }
0x6d: {  	_ =	shalt  }
0x6e: {  	_ =	shalt  }
0x6f: {  	_ =	shalt  }
0x70: {  	_ =	shalt  }
0x71: {  	_ =	shalt  }
0x72: {  	_ =	shalt  }
0x73: {  	_ =	shalt  }
0x74: {  	_ =	shalt  }
0x75: {  	_ =	shalt  }
0x76: {  	_ =	shalt  }
0x77: {  	_ =	shalt  }
0x78: {  	_ =	shalt  }
0x79: {  	_ =	shalt  }
0x7a: {  	_ =	shalt  }
0x7b: {  	_ =	shalt  }
0x7c: {  	_ =	shalt  }
0x7d: {  	_ =	shalt  }
0x7e: {  	_ =	shalt  }
0x7f: {  	_ =	shalt  }
0x80: {  	_ =	shalt  }
0x81: {  	_ =	shalt  }
0x82: {  	_ =	shalt  }
0x83: {  	_ =	shalt  }
0x84: {  	_ =	shalt  }
0x85: {  	_ =	shalt  }
0x86: {  	_ =	shalt  }
0x87: {  	_ =	shalt  }
.Lfunc_end0:
.L_simem_size_0:
called_computation_lowered:
.L_overlay_start_0:
0x88: {  	s2 =	sld [smem:$0x3FD9]  }
0x89: {  	s3 =	sld [smem:$0x3FFE];
	_ =	sdelay $0x1  }
0x8a: {  	s1 =	srdreg.scid  }
0x8b: {  	s0 =	sand.u32 $0x1, s1  }
0x8c: {  	s17 =	sshll.u32 s0, $0xA;
	s2 =	sadd.s32 s3, s2  }
0x8d: {  	s2 =	sadd.s32 s2, s17  }
0x8e: {  	[smem:$0x3FC6] =	sst s2  }
0x8f: {  	_ = 	snop  }
0x90: {  	s2 =	sld [smem:$0x3FC9]  }
0x91: {  	s18 =	sld [smem:$0x3FD0];
	(tm) =	ssettm $0x1  }
0x92: {  	s4 =	sld [smem:$0x3FFB];
	_ =	sdelay $0x3  }
0x93: {  	_ =	strace s4  }
0x94: {  	s4 =	sld [smem:$0x3FFC];
	_ =	sdelay $0x3  }
0x95: {  	_ =	strace s4  }
0x96: {  	s4 =	sld [smem:$0x3FFD];
	_ =	sdelay $0x3  }
0x97: {  	_ =	strace s4  }
0x98: {  	_ =	strace $0x8FFFFFFF  }
0x99: {  	s19 =	sld [smem:$0x3FDB];
	_ =	sdelay $0x1  }
0x9a: {  	s5 =	simm.s32 $_scs_section_size  }
0x9b: {  	s6 =	simm.s32 $_size__tile_overlayer_lowered;
	s7 =	simm.s32 $_tile_overlayer_lowered  }
0x9c: {  	s22 =	simm.s32 $0x1BFF;
	s21 =	sshll.u32 s7, $0x1;
	s4 =	sadd.s32 s5, s19  }
0x9d: {  	s8 =	simm.s32 $0x0;
	s20 =	sshll.u32 s6, $0x1;
	s6 =	sadd.s32 s21, s4  }
0x9e: {  	[timem:s8], [sflag:s22] =	dma.local [hbm:s6], s20  }
0x9f: {  	_ =	swait.ge [sflag:s22], s20  }
0xa0: {  	s5 =	ssub.s32 $0x0, s20;
	[sflag:s22] =	ssyncset.done $0x0  }
0xa1: {  	[sflag:s22] =	ssyncadd.s32 s5;
	_ =	sdelay $0x1  }
0xa2: {  	s23 =	simm.s32 $0x1B8B  }
0xa3: {  	_ =	swait.ge [sflag:s23], $0x1  }
0xa4: {  	[sflag:s23] =	ssyncset.done $0x0  }
0xa5: {  	s25 =	simm.s32 $0x1B8E;
	s24 =	sld [smem:$0x3FFE];
	[sflag:s23] =	ssyncadd.s32 $0xFFFFFFFF  }
0xa6: {  	s26 =	simm.s32 $execute0_lowered;
	[smem:$0x3FD2] =	sst s25  }
0xa7: {  	s6 =	sshll.u32 s26, $0x1;
	_ =	strace $0x80000046;
	[dreg:$0x1] =	wrdreg $0xFFFFFFFF  }
0xa8: {  	s28 =	simm.s32 $_size_execute0_lowered;
	s4 =	sadd.s32 s4, s6;
	[dreg:$0x0] =	wrdreg $0x0  }
0xa9: {  	s6 =	sshll.u32 s28, $0x1;
	[dreg:$0x2] =	wrdreg s4  }
0xaa: {  	[dreg:$0x3] =	wrdreg s6  }
0xab: {  	[dreg:$0x4] =	wrdreg $0xC0  }
0xac: {  	_ =	task [dreg:s8], $0x5FFFF  }
0xad: {  	[dreg:$0x1] =	wrdreg $0xFFFFFFFF  }
0xae: {  	[dreg:$0x0] =	wrdreg $0x60  }
0xaf: {  	[dreg:$0x2] =	wrdreg s2  }
0xb0: {  	[dreg:$0x3] =	wrdreg s24  }
0xb1: {  	[dreg:$0x4] =	wrdreg s18  }
0xb2: {  	[dreg:$0x5] =	wrdreg $0x120000  }
0xb3: {  	[dreg:$0x6] =	wrdreg $0x9  }
0xb4: {  	_ =	task.clear_ibuf [dreg:s8], $0x7FFFF;
	_ =	strace $0x90000046  }
0xb5: {  	s29 =	simm.s32 $0x9;
	_ =	strace $0x80000048  }
0xb6: {  	_ =	swait.ge [sflag:s29], $0x1  }
0xb7: {  	[sflag:s29] =	ssyncadd.s32 $0xFFFFFFFF  }
0xb8: {  	_ =	strace $0x90000048  }
0xb9: {  	_ =	sfence  }
0xba: {  	s30 =	sld [smem:$0x0];
	_ =	sdelay $0x2  }
0xbb: {  	s31 =	sshll.u32 s1, $0xD;
	s1 =	sshrl.u32 s1, $0x2  }
0xbc: {  	s3 =	sand.u32 $0x4000, s31;
	s1 =	sadd.s32 s1, s30  }
0xbd: {  	s0 =	sor.u32 s3, s0;
	s1 =	sshll.u32 s1, $0x11  }
0xbe: {  	s0 =	sor.u32 s1, s0  }
0xbf: {  	s0 =	sadd.s32 $0x8F2B, s0  }
0xc0: {  	[sflag:s0] =	ssyncadd.remote.s32 $0x1  }
0xc1: {  	_ =	sfence.sel $0xFFFF  }
0xc2: {  	[dreg:$0x0] =	wrdreg $0xFFFFFFFF;
	(pc) =	sbr.abs _section_cstart, $3  }
0xc3: {  	[dreg:$0x1] =	wrdreg $0xFFFFFFFF  }
0xc4: {  	_ =	task.clear_ibuf [dreg:s8], $0x2FFFF;
	_ =	strace $0x9FFFFFFF  }
0xc5: {  	(tm) =	ssettm $0x7FFFFFFF  }
tec
execute0_lowered:
.L_overlay_start_1:
0x0: {  	(tag) =	ssettag $0x1  }
0x1: {  	s0 =	rddreg [dreg:$0x0]  }
0x2: {  	s1 =	rddreg [dreg:$0x1]  }
0x3: {  	s2 =	rddreg [dreg:$0x2]  }
0x4: {  	s3 =	srdreg.scid;
	s4 =	rddreg [dreg:$0x3]  }
0x5: {  	s12 =	stileid.u32;
	s19 =	simm.s32 $0xA000;
	s29 =	simm.s32 $0x1  }
0x6: {  	s30 =	simm.s32 $0x5;
	s31 =	simm.s32 $0xE000;
	s20 =	simm.s32 $0x6  }
0x7: {  	s21 =	simm.s32 $0x3;
	s13 =	sand.u32 $0x1, s3;
	s5 =	sshll.u32 s12, $0xB  }
0x8: {  	s3 =	simm.s32 $0x0;
	s7 =	sadd.s32 $0x300, s0;
	s8 =	sadd.s32 $0x400, s0  }
0x9: {  	s9 =	sadd.s32 $0x500, s0;
	s10 =	sadd.s32 $0x600, s0;
	s11 =	sadd.s32 $0x700, s0  }
0xa: {  	s24 =	sshll.u32 s12, $0xF;
	s15 =	sshll.u32 s12, $0x12;
	s6 =	sshll.u32 s13, $0xA  }
0xb: {  	s22 =	ssub.s32 $0x2, s13;
	[smem:$0x7FF] =	sst s3;
	s12 =	sadd.s32 s24, s4  }
0xc: {  	s25 =	sadd.s32 s15, s2;
	s26 =	sshll.u32 s13, $0x11;
	s24 =	simm.s32 $0x8  }
0xd: {  	s2 =	simm.s32 $0x0;
	s5 =	sor.u32 s6, s5;
	s23 =	sshrl.u32 s22, $0x1  }
.Ltmp0:
0xe: {  	_ =	strace $0x80000047;
	s6 =	sadd.s32 $0x200, s0;
	(pc) =	sbr.rel .LBB2_1-.Ltmp0, $4  }
0xf: {  	s13 =	sadd.s32 $0x4000, s12;
	s15 =	sadd.s32 s26, s25;
	s1 =	sadd.s32 s5, s1  }
0x10: {  	v0 =	vlaneseq.u32;
	s25 =	simm.s32 $0x2;
	s14 =	ssub.s32 s22, s23;
	s1 =	sadd.s32 $0x400, s1  }
0x11: {  	v1 =	vshrl.u32 v0, $0x3;
	s5 =	sadd.s32 $0x100, s0;
	s28 =	smax.u32 s14, $0x1;
	[dreg:$0x5] =	wrdreg s1  }
0x12: {  	vm0 =	vmmov $0xffff;
	v0 =	vand.u32 $0x7, v0;
	v1 =	vmul.u32 $0x8, v1;
	s22 =	simm.s32 $0x7;
	s23 =	simm.s32 $0x4;
	[dreg:$0x6] =	wrdreg s28  }
.LBB2_4:
0x13: {  	_ =	swait.ge [sflag:s22], $0x800  }
0x14: {  	[sflag:s22] =	ssyncset.done $0x0  }
0x15: {  	[sflag:s22] =	ssyncadd.s32 $0xFFFFF800  }
0x16: {  	_ =	swait.ge [sflag:s24], $0x800  }
0x17: {  	s2 =	rddreg [dreg:$0x7]  }
0x18: {  	s1 =	rddreg [dreg:$0x6];
	s2 =	sadd.s32 $0x1, s2  }
0x19: {  	p0 =	sne.s32 s2, s1  }
.Ltmp1:
0x1a: {  	_ = 	snop;
	(pc) =	sbr.rel @!p0 .LBB2_5-.Ltmp1, $3  }
0x1b: {  	_ =	sdelay $0x1  }
0x1c: {  	[sflag:s24] =	ssyncset.done $0x0  }
0x1d: {  	[sflag:s24] =	ssyncadd.s32 $0xFFFFF800  }
.LBB2_1:
0x1e: {  	[dreg:$0x7] =	wrdreg s2  }
0x1f: {  	s1 =	rddreg [dreg:$0x5];
	s17 =	simm.s32 $0x9  }
0x20: {  	[tilespmem:s3], [sflag:$0x9] =	stream.linear.gather [hbm4b:s1+s3], $0x2000, $0x38;
	[tilespmem:$0x1A000] =	vst v63  }
0x21: {  	_ =	swait.ge [sflag:s17], $0x2000  }
0x22: {  	[sflag:s17] =	ssyncset.done $0x0  }
0x23: {  	[sflag:s17] =	ssyncadd.s32 $0xFFFFE000  }
0x24: {  	v2 =	vld.msk [tilespmem:$0x0], $0xff;
	_ =	sdelay $0x4  }
0x25: {  	v3 =	vshll.u32 v2, $0x4  }
0x26: {  	v2 =	vand.u32 $0x7, v2;
	v3 =	vand.u32 $0xFFFFFF80, v3  }
0x27: {  	v2 =	vor.u32 v2, v3  }
0x28: {  	v2 =	vperm.xlane v2, v0;
	_ =	sdelay $0x1  }
0x29: {  	v2 =	vadd.s32 v1, v2;
	_ =	sdelay $0x3  }
0x2a: {  	s18 =	simm.s32 $0x2000  }
0x2b: {  	[tilespmem:s18], [sflag:$0x1] =	stream.indirect_vreg.gather [hbm4b:s0+s3], $0x80, v2, vm0, $0xb8;
	[tilespmem:$0x1A000] =	vst v63  }
0x2c: {  	s26 =	simm.s32 $0x2800  }
0x2d: {  	[tilespmem:s26], [sflag:$0x1] =	stream.indirect_vreg.gather [hbm4b:s5+s3], $0x80, v2, vm0, $0xb8;
	[tilespmem:$0x1A000] =	vst v63  }
0x2e: {  	s2 =	simm.s32 $0x3000  }
0x2f: {  	[tilespmem:s2], [sflag:$0x1] =	stream.indirect_vreg.gather [hbm4b:s6+s3], $0x80, v2, vm0, $0xb8;
	[tilespmem:$0x1A000] =	vst v63  }
0x30: {  	s4 =	simm.s32 $0x3800  }
0x31: {  	[tilespmem:s4], [sflag:$0x1] =	stream.indirect_vreg.gather [hbm4b:s7+s3], $0x80, v2, vm0, $0xb8;
	[tilespmem:$0x1A000] =	vst v63  }
0x32: {  	s14 =	simm.s32 $0x4000  }
0x33: {  	[tilespmem:s14], [sflag:$0x1] =	stream.indirect_vreg.gather [hbm4b:s8+s3], $0x80, v2, vm0, $0xb8;
	[tilespmem:$0x1A000] =	vst v63  }
0x34: {  	s16 =	simm.s32 $0x4800  }
0x35: {  	[tilespmem:s16], [sflag:$0x1] =	stream.indirect_vreg.gather [hbm4b:s9+s3], $0x80, v2, vm0, $0xb8;
	[tilespmem:$0x1A000] =	vst v63  }
0x36: {  	s17 =	simm.s32 $0x5000  }
0x37: {  	[tilespmem:s17], [sflag:$0x1] =	stream.indirect_vreg.gather [hbm4b:s10+s3], $0x80, v2, vm0, $0xb8;
	[tilespmem:$0x1A000] =	vst v63  }
0x38: {  	s18 =	simm.s32 $0x5800  }
0x39: {  	[tilespmem:s18], [sflag:$0x1] =	stream.indirect_vreg.gather [hbm4b:s11+s3], $0x80, v2, vm0, $0xb8;
	[tilespmem:$0x1A000] =	vst v63  }
0x3a: {  	v2 =	vld.msk [tilespmem:$0x80], $0xff;
	_ =	sdelay $0x4  }
0x3b: {  	v3 =	vshll.u32 v2, $0x4  }
0x3c: {  	v2 =	vand.u32 $0x7, v2;
	v3 =	vand.u32 $0xFFFFFF80, v3  }
0x3d: {  	v2 =	vor.u32 v2, v3  }
0x3e: {  	v2 =	vperm.xlane v2, v0;
	_ =	sdelay $0x1  }
0x3f: {  	v2 =	vadd.s32 v1, v2;
	_ =	sdelay $0x3  }
0x40: {  	s26 =	simm.s32 $0x6000  }
0x41: {  	[tilespmem:s26], [sflag:$0x2] =	stream.indirect_vreg.gather [hbm4b:s0+s3], $0x80, v2, vm0, $0xb8;
	[tilespmem:$0x1A000] =	vst v63  }
0x42: {  	s2 =	simm.s32 $0x6800  }
0x43: {  	[tilespmem:s2], [sflag:$0x2] =	stream.indirect_vreg.gather [hbm4b:s5+s3], $0x80, v2, vm0, $0xb8;
	[tilespmem:$0x1A000] =	vst v63  }
0x44: {  	s4 =	simm.s32 $0x7000  }
0x45: {  	[tilespmem:s4], [sflag:$0x2] =	stream.indirect_vreg.gather [hbm4b:s6+s3], $0x80, v2, vm0, $0xb8;
	[tilespmem:$0x1A000] =	vst v63  }
0x46: {  	s14 =	simm.s32 $0x7800  }
0x47: {  	[tilespmem:s14], [sflag:$0x2] =	stream.indirect_vreg.gather [hbm4b:s7+s3], $0x80, v2, vm0, $0xb8;
	[tilespmem:$0x1A000] =	vst v63  }
0x48: {  	s16 =	simm.s32 $0x8000  }
0x49: {  	[tilespmem:s16], [sflag:$0x2] =	stream.indirect_vreg.gather [hbm4b:s8+s3], $0x80, v2, vm0, $0xb8;
	[tilespmem:$0x1A000] =	vst v63  }
0x4a: {  	s17 =	simm.s32 $0x8800  }
0x4b: {  	[tilespmem:s17], [sflag:$0x2] =	stream.indirect_vreg.gather [hbm4b:s9+s3], $0x80, v2, vm0, $0xb8;
	[tilespmem:$0x1A000] =	vst v63  }
0x4c: {  	s18 =	simm.s32 $0x9000  }
0x4d: {  	[tilespmem:s18], [sflag:$0x2] =	stream.indirect_vreg.gather [hbm4b:s10+s3], $0x80, v2, vm0, $0xb8;
	[tilespmem:$0x1A000] =	vst v63  }
0x4e: {  	s26 =	simm.s32 $0x9800  }
0x4f: {  	[tilespmem:s26], [sflag:$0x2] =	stream.indirect_vreg.gather [hbm4b:s11+s3], $0x80, v2, vm0, $0xb8;
	[tilespmem:$0x1A000] =	vst v63  }
0x50: {  	v2 =	vld.msk [tilespmem:$0x100], $0xff;
	_ =	sdelay $0x4  }
0x51: {  	v3 =	vshll.u32 v2, $0x4  }
0x52: {  	v2 =	vand.u32 $0x7, v2;
	v3 =	vand.u32 $0xFFFFFF80, v3  }
0x53: {  	v2 =	vor.u32 v2, v3  }
0x54: {  	v2 =	vperm.xlane v2, v0;
	_ =	sdelay $0x1  }
0x55: {  	v2 =	vadd.s32 v1, v2;
	_ =	sdelay $0x4  }
0x56: {  	[tilespmem:s19], [sflag:$0x3] =	stream.indirect_vreg.gather [hbm4b:s0+s3], $0x80, v2, vm0, $0xb8;
	[tilespmem:$0x1A000] =	vst v63  }
0x57: {  	s2 =	simm.s32 $0xA800  }
0x58: {  	[tilespmem:s2], [sflag:$0x3] =	stream.indirect_vreg.gather [hbm4b:s5+s3], $0x80, v2, vm0, $0xb8;
	[tilespmem:$0x1A000] =	vst v63  }
0x59: {  	s4 =	simm.s32 $0xB000  }
0x5a: {  	[tilespmem:s4], [sflag:$0x3] =	stream.indirect_vreg.gather [hbm4b:s6+s3], $0x80, v2, vm0, $0xb8;
	[tilespmem:$0x1A000] =	vst v63  }
0x5b: {  	s14 =	simm.s32 $0xB800  }
0x5c: {  	[tilespmem:s14], [sflag:$0x3] =	stream.indirect_vreg.gather [hbm4b:s7+s3], $0x80, v2, vm0, $0xb8;
	[tilespmem:$0x1A000] =	vst v63  }
0x5d: {  	s16 =	simm.s32 $0xC000  }
0x5e: {  	[tilespmem:s16], [sflag:$0x3] =	stream.indirect_vreg.gather [hbm4b:s8+s3], $0x80, v2, vm0, $0xb8;
	[tilespmem:$0x1A000] =	vst v63  }
0x5f: {  	s17 =	simm.s32 $0xC800  }
0x60: {  	[tilespmem:s17], [sflag:$0x3] =	stream.indirect_vreg.gather [hbm4b:s9+s3], $0x80, v2, vm0, $0xb8;
	[tilespmem:$0x1A000] =	vst v63  }
0x61: {  	s18 =	simm.s32 $0xD000  }
0x62: {  	[tilespmem:s18], [sflag:$0x3] =	stream.indirect_vreg.gather [hbm4b:s10+s3], $0x80, v2, vm0, $0xb8;
	[tilespmem:$0x1A000] =	vst v63  }
0x63: {  	s26 =	simm.s32 $0xD800  }
0x64: {  	[tilespmem:s26], [sflag:$0x3] =	stream.indirect_vreg.gather [hbm4b:s11+s3], $0x80, v2, vm0, $0xb8;
	[tilespmem:$0x1A000] =	vst v63  }
0x65: {  	s28 =	simm.s32 $0x0;
	s26 =	simm.s32 $0x300  }
.LBB2_2:
0x66: {  	_ =	swait.ge [sflag:s29], $0x4000  }
0x67: {  	p0 =	seq.s32 s28, $0x0;
	[sflag:s29] =	ssyncset.done $0x0  }
0x68: {  	s1 =	simm.s32 @!p0 $0x7;
	[sflag:s29] =	ssyncadd.s32 $0xFFFFC000  }
0x69: {  	_ =	swait.ge @!p0 [sflag:s1], $0x800  }
0x6a: {  	[sflag:s1] =	ssyncset.done @!p0 $0x0  }
0x6b: {  	s16 =	simm.s32 $0x2000;
	s17 =	stileid.u32;
	[sflag:s1] =	ssyncadd.s32 @!p0 $0xFFFFF800  }
0x6c: {  	[spmem:s12] =	stream.linear.scatter [tilespmem:s16], [sflag:$0x5], $0x4000, $0x38;
	[tilespmem:$0x1A000] =	vst v63  }
0x6d: {  	s4 =	sshll.u32 s17, $0x6;
	_ =	swait.ge [sflag:s30], $0x4000  }
0x6e: {  	s14 =	sor.u32 $0x1C07, s4;
	[sflag:s30] =	ssyncset.done $0x0  }
0x6f: {  	s1 =	sadd.s32 s28, s15;
	s16 =	sshrl.u32 s12, $0x3;
	[sflag:s30] =	ssyncadd.s32 $0xFFFFC000  }
0x70: {  	[hbm:s1], [sflag:s14] =	dma.local [spmem:s16], $0x800  }
0x71: {  	v2 =	vld.msk [tilespmem:s26+$0xFFFFFE80], $0xff;
	_ =	sdelay $0x4  }
0x72: {  	v3 =	vshll.u32 v2, $0x4  }
0x73: {  	v2 =	vand.u32 $0x7, v2;
	v3 =	vand.u32 $0xFFFFFF80, v3  }
0x74: {  	v2 =	vor.u32 v2, v3  }
0x75: {  	v2 =	vperm.xlane v2, v0;
	_ =	sdelay $0x1  }
0x76: {  	v2 =	vadd.s32 v1, v2;
	_ =	sdelay $0x4  }
0x77: {  	[tilespmem:s31], [sflag:$0x4] =	stream.indirect_vreg.gather [hbm4b:s0+s3], $0x80, v2, vm0, $0xb8;
	[tilespmem:$0x1A000] =	vst v63  }
0x78: {  	s2 =	simm.s32 $0xE800  }
0x79: {  	[tilespmem:s2], [sflag:$0x4] =	stream.indirect_vreg.gather [hbm4b:s5+s3], $0x80, v2, vm0, $0xb8;
	[tilespmem:$0x1A000] =	vst v63  }
0x7a: {  	s18 =	simm.s32 $0xF000  }
0x7b: {  	[tilespmem:s18], [sflag:$0x4] =	stream.indirect_vreg.gather [hbm4b:s6+s3], $0x80, v2, vm0, $0xb8;
	[tilespmem:$0x1A000] =	vst v63  }
0x7c: {  	s17 =	simm.s32 $0xF800  }
0x7d: {  	[tilespmem:s17], [sflag:$0x4] =	stream.indirect_vreg.gather [hbm4b:s7+s3], $0x80, v2, vm0, $0xb8;
	[tilespmem:$0x1A000] =	vst v63  }
0x7e: {  	s18 =	simm.s32 $0x10000  }
0x7f: {  	[tilespmem:s18], [sflag:$0x4] =	stream.indirect_vreg.gather [hbm4b:s8+s3], $0x80, v2, vm0, $0xb8;
	[tilespmem:$0x1A000] =	vst v63  }
0x80: {  	s17 =	simm.s32 $0x10800  }
0x81: {  	[tilespmem:s17], [sflag:$0x4] =	stream.indirect_vreg.gather [hbm4b:s9+s3], $0x80, v2, vm0, $0xb8;
	[tilespmem:$0x1A000] =	vst v63  }
0x82: {  	s18 =	simm.s32 $0x11000  }
0x83: {  	[tilespmem:s18], [sflag:$0x4] =	stream.indirect_vreg.gather [hbm4b:s10+s3], $0x80, v2, vm0, $0xb8;
	[tilespmem:$0x1A000] =	vst v63  }
0x84: {  	s17 =	simm.s32 $0x11800  }
0x85: {  	[tilespmem:s17], [sflag:$0x4] =	stream.indirect_vreg.gather [hbm4b:s11+s3], $0x80, v2, vm0, $0xb8;
	[tilespmem:$0x1A000] =	vst v63  }
0x86: {  	_ =	swait.ge [sflag:s25], $0x4000  }
0x87: {  	[sflag:s25] =	ssyncset.done $0x0  }
0x88: {  	s18 =	simm.s32 @!p0 $0x8;
	[sflag:s25] =	ssyncadd.s32 $0xFFFFC000  }
0x89: {  	_ =	swait.ge @!p0 [sflag:s18], $0x800  }
0x8a: {  	[sflag:s18] =	ssyncset.done @!p0 $0x0  }
0x8b: {  	[sflag:s18] =	ssyncadd.s32 @!p0 $0xFFFFF800;
	s18 =	simm.s32 $0x6000  }
0x8c: {  	[spmem:s13] =	stream.linear.scatter [tilespmem:s18], [sflag:$0x6], $0x4000, $0x38;
	[tilespmem:$0x1A000] =	vst v63  }
0x8d: {  	_ =	swait.ge [sflag:s20], $0x4000  }
0x8e: {  	s17 =	sadd.s32 $0x800, s1;
	p0 =	seq.s32 s28, $0x1E000;
	[sflag:s20] =	ssyncset.done $0x0  }
0x8f: {  	s18 =	sor.u32 $0x1C08, s4;
	s4 =	sshrl.u32 s13, $0x3;
	[sflag:s20] =	ssyncadd.s32 $0xFFFFC000  }
0x90: {  	[hbm:s17], [sflag:s18] =	dma.local [spmem:s4], $0x800  }
0x91: {  	v2 =	vld.msk @!p0 [tilespmem:s26+$0xFFFFFF00], $0xff;
	_ =	sdelay $0x4  }
0x92: {  	v3 =	vshll.u32 @!p0 v2, $0x4  }
0x93: {  	v4 =	vlaneseq.u32 @!p0;
	v2 =	vand.u32 @!p0 $0x7, v2;
	v3 =	vand.u32 @!p0 $0xFFFFFF80, v3  }
0x94: {  	v2 =	vor.u32 @!p0 v2, v3;
	v3 =	vand.u32 @!p0 $0x7, v4;
	v4 =	vshrl.u32 @!p0 v4, $0x3  }
0x95: {  	v2 =	vperm.xlane @!p0 v2, v3;
	v4 =	vmul.u32 @!p0 $0x8, v4;
	_ =	sdelay $0x1  }
0x96: {  	v2 =	vadd.s32 @!p0 v4, v2;
	_ =	sdelay $0x3  }
0x97: {  	vm1 =	vmmov @!p0 $0xffff;
	s2 =	simm.s32 @!p0 $0x0;
	s17 =	simm.s32 @!p0 $0x2000  }
0x98: {  	[tilespmem:s17], [sflag:$0x1] =	stream.indirect_vreg.gather @!p0 [hbm4b:s0+s2], $0x80, v2, vm1, $0xb8;
	[tilespmem:$0x1A000] =	vst v63  }
0x99: {  	s17 =	simm.s32 @!p0 $0x2800  }
0x9a: {  	[tilespmem:s17], [sflag:$0x1] =	stream.indirect_vreg.gather @!p0 [hbm4b:s5+s2], $0x80, v2, vm1, $0xb8;
	[tilespmem:$0x1A000] =	vst v63  }
0x9b: {  	s17 =	simm.s32 @!p0 $0x3000  }
0x9c: {  	[tilespmem:s17], [sflag:$0x1] =	stream.indirect_vreg.gather @!p0 [hbm4b:s6+s2], $0x80, v2, vm1, $0xb8;
	[tilespmem:$0x1A000] =	vst v63  }
0x9d: {  	s17 =	simm.s32 @!p0 $0x3800  }
0x9e: {  	[tilespmem:s17], [sflag:$0x1] =	stream.indirect_vreg.gather @!p0 [hbm4b:s7+s2], $0x80, v2, vm1, $0xb8;
	[tilespmem:$0x1A000] =	vst v63  }
0x9f: {  	s17 =	simm.s32 @!p0 $0x4000  }
0xa0: {  	[tilespmem:s17], [sflag:$0x1] =	stream.indirect_vreg.gather @!p0 [hbm4b:s8+s2], $0x80, v2, vm1, $0xb8;
	[tilespmem:$0x1A000] =	vst v63  }
0xa1: {  	s17 =	simm.s32 @!p0 $0x4800  }
0xa2: {  	[tilespmem:s17], [sflag:$0x1] =	stream.indirect_vreg.gather @!p0 [hbm4b:s9+s2], $0x80, v2, vm1, $0xb8;
	[tilespmem:$0x1A000] =	vst v63  }
0xa3: {  	s17 =	simm.s32 @!p0 $0x5000  }
0xa4: {  	[tilespmem:s17], [sflag:$0x1] =	stream.indirect_vreg.gather @!p0 [hbm4b:s10+s2], $0x80, v2, vm1, $0xb8;
	[tilespmem:$0x1A000] =	vst v63  }
0xa5: {  	s17 =	simm.s32 @!p0 $0x5800  }
0xa6: {  	[tilespmem:s17], [sflag:$0x1] =	stream.indirect_vreg.gather @!p0 [hbm4b:s11+s2], $0x80, v2, vm1, $0xb8;
	[tilespmem:$0x1A000] =	vst v63  }
0xa7: {  	_ =	swait.ge [sflag:s21], $0x4000  }
0xa8: {  	[sflag:s21] =	ssyncset.done $0x0  }
0xa9: {  	[sflag:s21] =	ssyncadd.s32 $0xFFFFC000  }
0xaa: {  	_ =	swait.ge [sflag:s22], $0x800  }
0xab: {  	[sflag:s22] =	ssyncset.done $0x0  }
0xac: {  	[sflag:s22] =	ssyncadd.s32 $0xFFFFF800  }
0xad: {  	[spmem:s12] =	stream.linear.scatter [tilespmem:s19], [sflag:$0x5], $0x4000, $0x38;
	[tilespmem:$0x1A000] =	vst v63  }
0xae: {  	_ =	swait.ge [sflag:s30], $0x4000  }
0xaf: {  	[sflag:s30] =	ssyncset.done $0x0  }
0xb0: {  	s17 =	sadd.s32 $0x1000, s1;
	[sflag:s30] =	ssyncadd.s32 $0xFFFFC000  }
0xb1: {  	[hbm:s17], [sflag:s14] =	dma.local [spmem:s16], $0x800  }
0xb2: {  	v2 =	vld.msk @!p0 [tilespmem:s26+$0xFFFFFF80], $0xff;
	_ =	sdelay $0x4  }
0xb3: {  	v5 =	vshll.u32 @!p0 v2, $0x4  }
0xb4: {  	v2 =	vand.u32 @!p0 $0x7, v2;
	v5 =	vand.u32 @!p0 $0xFFFFFF80, v5  }
0xb5: {  	v2 =	vor.u32 @!p0 v2, v5  }
0xb6: {  	v2 =	vperm.xlane @!p0 v2, v3;
	_ =	sdelay $0x1  }
0xb7: {  	v2 =	vadd.s32 @!p0 v4, v2;
	_ =	sdelay $0x3  }
0xb8: {  	s14 =	simm.s32 @!p0 $0x6000  }
0xb9: {  	[tilespmem:s14], [sflag:$0x2] =	stream.indirect_vreg.gather @!p0 [hbm4b:s0+s2], $0x80, v2, vm1, $0xb8;
	[tilespmem:$0x1A000] =	vst v63  }
0xba: {  	s14 =	simm.s32 @!p0 $0x6800  }
0xbb: {  	[tilespmem:s14], [sflag:$0x2] =	stream.indirect_vreg.gather @!p0 [hbm4b:s5+s2], $0x80, v2, vm1, $0xb8;
	[tilespmem:$0x1A000] =	vst v63  }
0xbc: {  	s14 =	simm.s32 @!p0 $0x7000  }
0xbd: {  	[tilespmem:s14], [sflag:$0x2] =	stream.indirect_vreg.gather @!p0 [hbm4b:s6+s2], $0x80, v2, vm1, $0xb8;
	[tilespmem:$0x1A000] =	vst v63  }
0xbe: {  	s14 =	simm.s32 @!p0 $0x7800  }
0xbf: {  	[tilespmem:s14], [sflag:$0x2] =	stream.indirect_vreg.gather @!p0 [hbm4b:s7+s2], $0x80, v2, vm1, $0xb8;
	[tilespmem:$0x1A000] =	vst v63  }
0xc0: {  	s14 =	simm.s32 @!p0 $0x8000  }
0xc1: {  	[tilespmem:s14], [sflag:$0x2] =	stream.indirect_vreg.gather @!p0 [hbm4b:s8+s2], $0x80, v2, vm1, $0xb8;
	[tilespmem:$0x1A000] =	vst v63  }
0xc2: {  	s14 =	simm.s32 @!p0 $0x8800  }
0xc3: {  	[tilespmem:s14], [sflag:$0x2] =	stream.indirect_vreg.gather @!p0 [hbm4b:s9+s2], $0x80, v2, vm1, $0xb8;
	[tilespmem:$0x1A000] =	vst v63  }
0xc4: {  	s14 =	simm.s32 @!p0 $0x9000  }
0xc5: {  	[tilespmem:s14], [sflag:$0x2] =	stream.indirect_vreg.gather @!p0 [hbm4b:s10+s2], $0x80, v2, vm1, $0xb8;
	[tilespmem:$0x1A000] =	vst v63  }
0xc6: {  	s14 =	simm.s32 @!p0 $0x9800  }
0xc7: {  	[tilespmem:s14], [sflag:$0x2] =	stream.indirect_vreg.gather @!p0 [hbm4b:s11+s2], $0x80, v2, vm1, $0xb8;
	[tilespmem:$0x1A000] =	vst v63  }
0xc8: {  	_ =	swait.ge [sflag:s23], $0x4000  }
0xc9: {  	[sflag:s23] =	ssyncset.done $0x0  }
0xca: {  	[sflag:s23] =	ssyncadd.s32 $0xFFFFC000  }
0xcb: {  	_ =	swait.ge [sflag:s24], $0x800  }
0xcc: {  	[sflag:s24] =	ssyncset.done $0x0  }
0xcd: {  	[sflag:s24] =	ssyncadd.s32 $0xFFFFF800  }
0xce: {  	[spmem:s13] =	stream.linear.scatter [tilespmem:s31], [sflag:$0x6], $0x4000, $0x38;
	[tilespmem:$0x1A000] =	vst v63  }
.Ltmp2:
0xcf: {  	_ = 	snop;
	(pc) =	sbr.rel @p0 .LBB2_4-.Ltmp2, $4  }
0xd0: {  	_ =	swait.ge [sflag:s20], $0x4000  }
0xd1: {  	[sflag:s20] =	ssyncset.done $0x0  }
0xd2: {  	s1 =	sadd.s32 $0x1800, s1;
	[sflag:s20] =	ssyncadd.s32 $0xFFFFC000  }
0xd3: {  	[hbm:s1], [sflag:s18] =	dma.local [spmem:s4], $0x800  }
0xd4: {  	v2 =	vld.msk [tilespmem:s26+$0x0], $0xff;
	_ =	sdelay $0x4  }
0xd5: {  	v3 =	vshll.u32 v2, $0x4  }
0xd6: {  	v2 =	vand.u32 $0x7, v2;
	v3 =	vand.u32 $0xFFFFFF80, v3  }
0xd7: {  	v2 =	vor.u32 v2, v3  }
0xd8: {  	v2 =	vperm.xlane v2, v0;
	_ =	sdelay $0x1  }
0xd9: {  	v2 =	vadd.s32 v1, v2;
	_ =	sdelay $0x4  }
0xda: {  	[tilespmem:s19], [sflag:$0x3] =	stream.indirect_vreg.gather [hbm4b:s0+s3], $0x80, v2, vm0, $0xb8;
	[tilespmem:$0x1A000] =	vst v63  }
0xdb: {  	s1 =	simm.s32 $0xA800  }
0xdc: {  	[tilespmem:s1], [sflag:$0x3] =	stream.indirect_vreg.gather [hbm4b:s5+s3], $0x80, v2, vm0, $0xb8;
	[tilespmem:$0x1A000] =	vst v63  }
0xdd: {  	s2 =	simm.s32 $0xB000  }
0xde: {  	[tilespmem:s2], [sflag:$0x3] =	stream.indirect_vreg.gather [hbm4b:s6+s3], $0x80, v2, vm0, $0xb8;
	[tilespmem:$0x1A000] =	vst v63  }
0xdf: {  	s4 =	simm.s32 $0xB800  }
0xe0: {  	[tilespmem:s4], [sflag:$0x3] =	stream.indirect_vreg.gather [hbm4b:s7+s3], $0x80, v2, vm0, $0xb8;
	[tilespmem:$0x1A000] =	vst v63  }
0xe1: {  	s14 =	simm.s32 $0xC000  }
0xe2: {  	[tilespmem:s14], [sflag:$0x3] =	stream.indirect_vreg.gather [hbm4b:s8+s3], $0x80, v2, vm0, $0xb8;
	[tilespmem:$0x1A000] =	vst v63  }
0xe3: {  	s16 =	simm.s32 $0xC800  }
0xe4: {  	[tilespmem:s16], [sflag:$0x3] =	stream.indirect_vreg.gather [hbm4b:s9+s3], $0x80, v2, vm0, $0xb8;
	[tilespmem:$0x1A000] =	vst v63  }
.Ltmp3:
0xe5: {  	_ = 	snop;
	(pc) =	sbr.rel .LBB2_2-.Ltmp3, $4  }
0xe6: {  	s17 =	simm.s32 $0xD000  }
0xe7: {  	[tilespmem:s17], [sflag:$0x3] =	stream.indirect_vreg.gather [hbm4b:s10+s3], $0x80, v2, vm0, $0xb8;
	[tilespmem:$0x1A000] =	vst v63  }
0xe8: {  	s18 =	simm.s32 $0xD800;
	s28 =	sadd.s32 $0x2000, s28;
	s26 =	sadd.s32 $0x200, s26  }
0xe9: {  	[tilespmem:s18], [sflag:$0x3] =	stream.indirect_vreg.gather [hbm4b:s11+s3], $0x80, v2, vm0, $0xb8;
	[tilespmem:$0x1A000] =	vst v63  }
.LBB2_5:
0xea: {  	_ =	sfence.sel $0x180000  }
0xeb: {  	[bflag:$0x0] =	sbarrier.arrive $0xFFFF  }
0xec: {  	_ =	strace $0x90000047  }
0xed: {  	s0 =	stileid.u32;
	[bflag:$0x2] =	sbarrier.arrive $0xFFFF  }
0xee: {  	p0 =	sne.s32 s0, $0x0;
	s0 =	rddreg [dreg:$0x4]  }
0xef: {  	s0 =	sadd.s32 @!p0 $0x100000, s0  }
0xf0: {  	[sflag:s0] =	ssyncadd.tile.s32 @!p0 $0x1;
	_ =	shalt  }
.Lfunc_end2:
_tile_overlayer_lowered:
.L_overlay_start_2:
0xf1: {  	(tag) =	ssettag $0x2  }
0xf2: {  	s0 =	rddreg [dreg:$0x0];
	s2 =	stileid.u32  }
0xf3: {  	s1 =	rddreg [dreg:$0x1];
	p0 =	sne.s32 s2, $0x0  }
0xf4: {  	s3 =	rddreg [dreg:$0x2];
	[bflag:$0x3] =	sbarrier.arrive $0xFFFF;
	s2 =	simm.s32 @!p0 $0x1C09  }
0xf5: {  	[timem:s3], [sflag:s2] =	dma.local @!p0 [hbm:s0], s1  }
0xf6: {  	s0 =	simm.s32 @!p0 $0x9  }
0xf7: {  	_ =	swait.ge @!p0 [sflag:s0], s1  }
0xf8: {  	s1 =	ssub.s32 @!p0 $0x0, s1;
	[sflag:s0] =	ssyncset.done @!p0 $0x0  }
0xf9: {  	[sflag:s0] =	ssyncadd.s32 @!p0 s1  }
0xfa: {  	[bflag:$0x3] =	sbarrier.arrive $0xFFFF  }
0xfb: {  	_ =	shalt  }

</sc_bundles>
